<compile_context>
chip_gen: v7x
topology: tpu7x:2x2x1
jax: 0.10.2.dev20260603
libtpu: 0.0.44.dev20260713+nightly
codegen_flags: <defaults>
</compile_context>

<pallas_src>
import functools

import jax
import jax.numpy as jnp
from jax import lax
from jax.experimental import pallas as pl
from jax.experimental.pallas import tpu as pltpu
from jax.experimental.pallas import tpu_sc as plsc


def _make_gather(n_total, d, chunk):
    info = plsc.get_sparse_core_info()
    nc, ns = info.num_cores, info.num_subcores
    nw = nc * ns
    assert n_total % (nw * chunk) == 0
    n_per_w = n_total // nw
    n_chunks = n_per_w // chunk
    assert n_chunks >= 2

    mesh = plsc.VectorSubcoreMesh(core_axis_name="c", subcore_axis_name="s")

    @functools.partial(
        pl.kernel,
        mesh=mesh,
        compiler_params=pltpu.CompilerParams(
            use_tc_tiling_on_sc=False, needs_layout_passes=False),
        out_type=jax.ShapeDtypeStruct((n_total, d), jnp.float32),
        scratch_types=[
            pltpu.VMEM((chunk,), jnp.int32),
            pltpu.VMEM((chunk,), jnp.int32),
            pltpu.VMEM((chunk, d), jnp.float32),
            pltpu.VMEM((chunk, d), jnp.float32),
            pltpu.SemaphoreType.DMA,
            pltpu.SemaphoreType.DMA,
            pltpu.SemaphoreType.DMA,
            pltpu.SemaphoreType.DMA,
            pltpu.SemaphoreType.DMA,
            pltpu.SemaphoreType.DMA,
        ],
    )
    def gather_kernel(idx_hbm, table_hbm, out_hbm,
                      idx0, idx1, rows0, rows1,
                      si0, si1, sg0, sg1, so0, so1):
        wid = lax.axis_index("s") * nc + lax.axis_index("c")
        base = wid * n_per_w
        idx_b = (idx0, idx1)
        rows_b = (rows0, rows1)
        si = (si0, si1)
        sg = (sg0, sg1)
        so = (so0, so1)

        def idx_copy(i):
            b = i % 2
            return pltpu.async_copy(
                idx_hbm.at[pl.ds(base + i * chunk, chunk)], idx_b[b], si[b])

        def out_copy(i):
            b = i % 2
            return pltpu.async_copy(
                rows_b[b], out_hbm.at[pl.ds(base + i * chunk, chunk)], so[b])

        h_idx = {}
        h_g = {}
        h_o = {}
        h_idx[0] = idx_copy(0)
        h_idx[1] = idx_copy(1)
        for i in range(n_chunks):
            b = i % 2
            h_idx[i].wait()
            if i >= 2:
                h_o[i - 2].wait()
            h_g[i] = pltpu.async_copy(table_hbm.at[idx_b[b]], rows_b[b], sg[b])
            if i >= 1:
                h_g[i - 1].wait()
                if i + 1 < n_chunks:
                    h_idx[i + 1] = idx_copy(i + 1)
                h_o[i - 1] = out_copy(i - 1)
        last = n_chunks - 1
        h_g[last].wait()
        h_o[last] = out_copy(last)
        h_o[last - 1].wait()
        h_o[last].wait()

    return gather_kernel


@jax.jit
def kernel(x, table):
    b, l = x.shape
    v, d = table.shape
    n = b * l
    flat_idx = x.reshape(n).astype(jnp.int32)
    out = _make_gather(n, d, 1600)(flat_idx, table)
    return out.reshape(b, l, d)

# --- scband reference (transcript-rebuilt; emitter-appended) ---
"""Pipeline reference for scband-token-embedding-9199819948658 (READ-ONLY COPY).

The authoritative reference and input builder live on the scoring server;
editing this copy changes nothing except your own understanding.
"""

import jax, jax.numpy as jnp
import numpy as np

VOCAB = 1000000
D_EMBD = 32
B = 4096
L = 200

def setup_inputs(seed: int = 0) -> dict:
    key = jax.random.key(seed)
    k1, k2 = jax.random.split(key)
    x = jax.random.randint(k1, (B, L), 0, VOCAB)
    # nn.Embedding default init: N(0, 1)
    table = jax.random.normal(k2, (VOCAB, D_EMBD), dtype=jnp.float32)
    return {"x": x, "table": table}

def reference(x, table):
    # TokenEmbedding.forward: self.embd(x) -> gather rows of the table
    return jnp.take(table, x, axis=0)

if __name__ == "__main__":
    import jax
    _d = setup_inputs()
    print(jax.jit(kernel)(*tuple(_d.values())))

</pallas_src>

<mosaic_0001>
#map = affine_map<(d0, d1) -> (0)>
#map1 = affine_map<(d0, d1) -> (0, 0)>
module attributes {stable_mosaic.version = 14 : i64} {
  func.func @gather_kernel(%arg0: i32, %arg1: i32, %arg2: memref<819200xi32, #tpu.memory_space<hbm>>, %arg3: memref<1000000x32xf32, #tpu.memory_space<hbm>>, %arg4: memref<819200x32xf32, #tpu.memory_space<hbm>>, %arg5: memref<1600xi32, #tpu.memory_space<vmem>>, %arg6: memref<1600xi32, #tpu.memory_space<vmem>>, %arg7: memref<1600x32xf32, #tpu.memory_space<vmem>>, %arg8: memref<1600x32xf32, #tpu.memory_space<vmem>>, %arg9: memref<!tpu.dma_semaphore, #tpu.memory_space<semaphore_mem>>, %arg10: memref<!tpu.dma_semaphore, #tpu.memory_space<semaphore_mem>>, %arg11: memref<!tpu.dma_semaphore, #tpu.memory_space<semaphore_mem>>, %arg12: memref<!tpu.dma_semaphore, #tpu.memory_space<semaphore_mem>>, %arg13: memref<!tpu.dma_semaphore, #tpu.memory_space<semaphore_mem>>, %arg14: memref<!tpu.dma_semaphore, #tpu.memory_space<semaphore_mem>>) attributes {dimension_semantics = [#tpu.dimension_semantics<core_parallel>, #tpu.dimension_semantics<subcore_parallel>], iteration_bounds = array<i64: 2, 16>, scalar_prefetch = 0 : i64, scratch_operands = 10 : i64, tpu.core_type = #tpu.core_type<sc_vector_subcore>, window_params = [{transform_indices = #map}, {transform_indices = #map1}, {transform_indices = #map1}]} {
    %mul3A = arith.constant 2 : i32
    %mul3A_0 = arith.muli %arg1, %mul3A : i32
    %add3A = arith.addi %mul3A_0, %arg0 : i32
    %mul3A_1 = arith.constant 25600 : i32
    %mul3A_2 = arith.muli %add3A, %mul3A_1 : i32
    %add3A_3 = arith.constant 0 : i32
    %add3A_4 = arith.addi %mul3A_2, %add3A_3 : i32
    %dma_start3A = tpu.memref_slice %arg2[%add3A_4] : memref<819200xi32, #tpu.memory_space<hbm>> -> memref<1600xi32, #tpu.memory_space<hbm>>
    %dma_start3A_5 = tpu.memref_slice %arg2[%add3A_4] : memref<819200xi32, #tpu.memory_space<hbm>> -> memref<1600xi32, #tpu.memory_space<hbm>>
    tpu.enqueue_dma source(%dma_start3A_5 : memref<1600xi32, #tpu.memory_space<hbm>>) target(%arg5 : memref<1600xi32, #tpu.memory_space<vmem>>) target_semaphore(%arg9 : memref<!tpu.dma_semaphore, #tpu.memory_space<semaphore_mem>>)
    %add3A_6 = arith.constant 1600 : i32
    %add3A_7 = arith.addi %mul3A_2, %add3A_6 : i32
    %dma_start3A_8 = tpu.memref_slice %arg2[%add3A_7] : memref<819200xi32, #tpu.memory_space<hbm>> -> memref<1600xi32, #tpu.memory_space<hbm>>
    %dma_start3A_9 = tpu.memref_slice %arg2[%add3A_7] : memref<819200xi32, #tpu.memory_space<hbm>> -> memref<1600xi32, #tpu.memory_space<hbm>>
    tpu.enqueue_dma source(%dma_start3A_9 : memref<1600xi32, #tpu.memory_space<hbm>>) target(%arg6 : memref<1600xi32, #tpu.memory_space<vmem>>) target_semaphore(%arg10 : memref<!tpu.dma_semaphore, #tpu.memory_space<semaphore_mem>>)
    %dma_wait3A = tpu.memref_slice %arg2[%add3A_4] : memref<819200xi32, #tpu.memory_space<hbm>> -> memref<1600xi32, #tpu.memory_space<hbm>>
    %dma_wait3A_10 = tpu.memref_slice %arg2[%add3A_4] : memref<819200xi32, #tpu.memory_space<hbm>> -> memref<1600xi32, #tpu.memory_space<hbm>>
    tpu.wait_dma2 semaphore(%arg9 : memref<!tpu.dma_semaphore, #tpu.memory_space<semaphore_mem>>) src(%dma_wait3A_10 : memref<1600xi32, #tpu.memory_space<hbm>>) dst(%arg5 : memref<1600xi32, #tpu.memory_space<vmem>>)
    %dma_start3A_11 = arith.constant 0 : i32
    %dma_start3A_12 = arith.constant 0 : i32
    %dma_start3A_13 = tpu.memref_slice %arg3[%dma_start3A_11, %dma_start3A_12] : memref<1000000x32xf32, #tpu.memory_space<hbm>> -> memref<1000000x32xf32, #tpu.memory_space<hbm>>
    tpu.enqueue_indirect_dma source(%dma_start3A_13 : memref<1000000x32xf32, #tpu.memory_space<hbm>>) target(%arg7 : memref<1600x32xf32, #tpu.memory_space<vmem>>) offsets(%arg5 : memref<1600xi32, #tpu.memory_space<vmem>>) semaphore(%arg11 : memref<!tpu.dma_semaphore, #tpu.memory_space<semaphore_mem>>)
    %dma_wait3A_14 = tpu.memref_slice %arg2[%add3A_7] : memref<819200xi32, #tpu.memory_space<hbm>> -> memref<1600xi32, #tpu.memory_space<hbm>>
    %dma_wait3A_15 = tpu.memref_slice %arg2[%add3A_7] : memref<819200xi32, #tpu.memory_space<hbm>> -> memref<1600xi32, #tpu.memory_space<hbm>>
    tpu.wait_dma2 semaphore(%arg10 : memref<!tpu.dma_semaphore, #tpu.memory_space<semaphore_mem>>) src(%dma_wait3A_15 : memref<1600xi32, #tpu.memory_space<hbm>>) dst(%arg6 : memref<1600xi32, #tpu.memory_space<vmem>>)
    %dma_start3A_16 = arith.constant 0 : i32
    %dma_start3A_17 = arith.constant 0 : i32
    %dma_start3A_18 = tpu.memref_slice %arg3[%dma_start3A_16, %dma_start3A_17] : memref<1000000x32xf32, #tpu.memory_space<hbm>> -> memref<1000000x32xf32, #tpu.memory_space<hbm>>
    tpu.enqueue_indirect_dma source(%dma_start3A_18 : memref<1000000x32xf32, #tpu.memory_space<hbm>>) target(%arg8 : memref<1600x32xf32, #tpu.memory_space<vmem>>) offsets(%arg6 : memref<1600xi32, #tpu.memory_space<vmem>>) semaphore(%arg12 : memref<!tpu.dma_semaphore, #tpu.memory_space<semaphore_mem>>)
    %dma_wait3A_19 = arith.constant 0 : i32
    %dma_wait3A_20 = arith.constant 0 : i32
    %dma_wait3A_21 = tpu.memref_slice %arg3[%dma_wait3A_19, %dma_wait3A_20] : memref<1000000x32xf32, #tpu.memory_space<hbm>> -> memref<1000000x32xf32, #tpu.memory_space<hbm>>
    tpu.wait_indirect_dma semaphore(%arg11 : memref<!tpu.dma_semaphore, #tpu.memory_space<semaphore_mem>>) src(%dma_wait3A_21 : memref<1000000x32xf32, #tpu.memory_space<hbm>>) dst(%arg7 : memref<1600x32xf32, #tpu.memory_space<vmem>>)
    %add3A_22 = arith.constant 3200 : i32
    %add3A_23 = arith.addi %mul3A_2, %add3A_22 : i32
    %dma_start3A_24 = tpu.memref_slice %arg2[%add3A_23] : memref<819200xi32, #tpu.memory_space<hbm>> -> memref<1600xi32, #tpu.memory_space<hbm>>
    %dma_start3A_25 = tpu.memref_slice %arg2[%add3A_23] : memref<819200xi32, #tpu.memory_space<hbm>> -> memref<1600xi32, #tpu.memory_space<hbm>>
    tpu.enqueue_dma source(%dma_start3A_25 : memref<1600xi32, #tpu.memory_space<hbm>>) target(%arg5 : memref<1600xi32, #tpu.memory_space<vmem>>) target_semaphore(%arg9 : memref<!tpu.dma_semaphore, #tpu.memory_space<semaphore_mem>>)
    %add3A_26 = arith.constant 0 : i32
    %add3A_27 = arith.addi %mul3A_2, %add3A_26 : i32
    %dma_start3A_28 = arith.constant 0 : i32
    %dma_start3A_29 = tpu.memref_slice %arg4[%add3A_27, %dma_start3A_28] : memref<819200x32xf32, #tpu.memory_space<hbm>> -> memref<1600x32xf32, #tpu.memory_space<hbm>>
    %dma_start3A_30 = arith.constant 0 : i32
    %dma_start3A_31 = tpu.memref_slice %arg4[%add3A_27, %dma_start3A_30] : memref<819200x32xf32, #tpu.memory_space<hbm>> -> memref<1600x32xf32, #tpu.memory_space<hbm>>
    tpu.enqueue_dma source(%arg7 : memref<1600x32xf32, #tpu.memory_space<vmem>>) target(%dma_start3A_31 : memref<1600x32xf32, #tpu.memory_space<hbm>>) target_semaphore(%arg13 : memref<!tpu.dma_semaphore, #tpu.memory_space<semaphore_mem>>)
    %dma_wait3A_32 = tpu.memref_slice %arg2[%add3A_23] : memref<819200xi32, #tpu.memory_space<hbm>> -> memref<1600xi32, #tpu.memory_space<hbm>>
    %dma_wait3A_33 = tpu.memref_slice %arg2[%add3A_23] : memref<819200xi32, #tpu.memory_space<hbm>> -> memref<1600xi32, #tpu.memory_space<hbm>>
    tpu.wait_dma2 semaphore(%arg9 : memref<!tpu.dma_semaphore, #tpu.memory_space<semaphore_mem>>) src(%dma_wait3A_33 : memref<1600xi32, #tpu.memory_space<hbm>>) dst(%arg5 : memref<1600xi32, #tpu.memory_space<vmem>>)
    %dma_wait3A_34 = arith.constant 0 : i32
    %dma_wait3A_35 = tpu.memref_slice %arg4[%add3A_27, %dma_wait3A_34] : memref<819200x32xf32, #tpu.memory_space<hbm>> -> memref<1600x32xf32, #tpu.memory_space<hbm>>
    %dma_wait3A_36 = arith.constant 0 : i32
    %dma_wait3A_37 = tpu.memref_slice %arg4[%add3A_27, %dma_wait3A_36] : memref<819200x32xf32, #tpu.memory_space<hbm>> -> memref<1600x32xf32, #tpu.memory_space<hbm>>
    tpu.wait_dma2 semaphore(%arg13 : memref<!tpu.dma_semaphore, #tpu.memory_space<semaphore_mem>>) src(%arg7 : memref<1600x32xf32, #tpu.memory_space<vmem>>) dst(%dma_wait3A_37 : memref<1600x32xf32, #tpu.memory_space<hbm>>)
    %dma_start3A_38 = arith.constant 0 : i32
    %dma_start3A_39 = arith.constant 0 : i32
    %dma_start3A_40 = tpu.memref_slice %arg3[%dma_start3A_38, %dma_start3A_39] : memref<1000000x32xf32, #tpu.memory_space<hbm>> -> memref<1000000x32xf32, #tpu.memory_space<hbm>>
    tpu.enqueue_indirect_dma source(%dma_start3A_40 : memref<1000000x32xf32, #tpu.memory_space<hbm>>) target(%arg7 : memref<1600x32xf32, #tpu.memory_space<vmem>>) offsets(%arg5 : memref<1600xi32, #tpu.memory_space<vmem>>) semaphore(%arg11 : memref<!tpu.dma_semaphore, #tpu.memory_space<semaphore_mem>>)
    %dma_wait3A_41 = arith.constant 0 : i32
    %dma_wait3A_42 = arith.constant 0 : i32
    %dma_wait3A_43 = tpu.memref_slice %arg3[%dma_wait3A_41, %dma_wait3A_42] : memref<1000000x32xf32, #tpu.memory_space<hbm>> -> memref<1000000x32xf32, #tpu.memory_space<hbm>>
    tpu.wait_indirect_dma semaphore(%arg12 : memref<!tpu.dma_semaphore, #tpu.memory_space<semaphore_mem>>) src(%dma_wait3A_43 : memref<1000000x32xf32, #tpu.memory_space<hbm>>) dst(%arg8 : memref<1600x32xf32, #tpu.memory_space<vmem>>)
    %add3A_44 = arith.constant 4800 : i32
    %add3A_45 = arith.addi %mul3A_2, %add3A_44 : i32
    %dma_start3A_46 = tpu.memref_slice %arg2[%add3A_45] : memref<819200xi32, #tpu.memory_space<hbm>> -> memref<1600xi32, #tpu.memory_space<hbm>>
    %dma_start3A_47 = tpu.memref_slice %arg2[%add3A_45] : memref<819200xi32, #tpu.memory_space<hbm>> -> memref<1600xi32, #tpu.memory_space<hbm>>
    tpu.enqueue_dma source(%dma_start3A_47 : memref<1600xi32, #tpu.memory_space<hbm>>) target(%arg6 : memref<1600xi32, #tpu.memory_space<vmem>>) target_semaphore(%arg10 : memref<!tpu.dma_semaphore, #tpu.memory_space<semaphore_mem>>)
    %add3A_48 = arith.constant 1600 : i32
    %add3A_49 = arith.addi %mul3A_2, %add3A_48 : i32
    %dma_start3A_50 = arith.constant 0 : i32
    %dma_start3A_51 = tpu.memref_slice %arg4[%add3A_49, %dma_start3A_50] : memref<819200x32xf32, #tpu.memory_space<hbm>> -> memref<1600x32xf32, #tpu.memory_space<hbm>>
    %dma_start3A_52 = arith.constant 0 : i32
    %dma_start3A_53 = tpu.memref_slice %arg4[%add3A_49, %dma_start3A_52] : memref<819200x32xf32, #tpu.memory_space<hbm>> -> memref<1600x32xf32, #tpu.memory_space<hbm>>
    tpu.enqueue_dma source(%arg8 : memref<1600x32xf32, #tpu.memory_space<vmem>>) target(%dma_start3A_53 : memref<1600x32xf32, #tpu.memory_space<hbm>>) target_semaphore(%arg14 : memref<!tpu.dma_semaphore, #tpu.memory_space<semaphore_mem>>)
    %dma_wait3A_54 = tpu.memref_slice %arg2[%add3A_45] : memref<819200xi32, #tpu.memory_space<hbm>> -> memref<1600xi32, #tpu.memory_space<hbm>>
    %dma_wait3A_55 = tpu.memref_slice %arg2[%add3A_45] : memref<819200xi32, #tpu.memory_space<hbm>> -> memref<1600xi32, #tpu.memory_space<hbm>>
    tpu.wait_dma2 semaphore(%arg10 : memref<!tpu.dma_semaphore, #tpu.memory_space<semaphore_mem>>) src(%dma_wait3A_55 : memref<1600xi32, #tpu.memory_space<hbm>>) dst(%arg6 : memref<1600xi32, #tpu.memory_space<vmem>>)
    %dma_wait3A_56 = arith.constant 0 : i32
    %dma_wait3A_57 = tpu.memref_slice %arg4[%add3A_49, %dma_wait3A_56] : memref<819200x32xf32, #tpu.memory_space<hbm>> -> memref<1600x32xf32, #tpu.memory_space<hbm>>
    %dma_wait3A_58 = arith.constant 0 : i32
    %dma_wait3A_59 = tpu.memref_slice %arg4[%add3A_49, %dma_wait3A_58] : memref<819200x32xf32, #tpu.memory_space<hbm>> -> memref<1600x32xf32, #tpu.memory_space<hbm>>
    tpu.wait_dma2 semaphore(%arg14 : memref<!tpu.dma_semaphore, #tpu.memory_space<semaphore_mem>>) src(%arg8 : memref<1600x32xf32, #tpu.memory_space<vmem>>) dst(%dma_wait3A_59 : memref<1600x32xf32, #tpu.memory_space<hbm>>)
    %dma_start3A_60 = arith.constant 0 : i32
    %dma_start3A_61 = arith.constant 0 : i32
    %dma_start3A_62 = tpu.memref_slice %arg3[%dma_start3A_60, %dma_start3A_61] : memref<1000000x32xf32, #tpu.memory_space<hbm>> -> memref<1000000x32xf32, #tpu.memory_space<hbm>>
    tpu.enqueue_indirect_dma source(%dma_start3A_62 : memref<1000000x32xf32, #tpu.memory_space<hbm>>) target(%arg8 : memref<1600x32xf32, #tpu.memory_space<vmem>>) offsets(%arg6 : memref<1600xi32, #tpu.memory_space<vmem>>) semaphore(%arg12 : memref<!tpu.dma_semaphore, #tpu.memory_space<semaphore_mem>>)
    %dma_wait3A_63 = arith.constant 0 : i32
    %dma_wait3A_64 = arith.constant 0 : i32
    %dma_wait3A_65 = tpu.memref_slice %arg3[%dma_wait3A_63, %dma_wait3A_64] : memref<1000000x32xf32, #tpu.memory_space<hbm>> -> memref<1000000x32xf32, #tpu.memory_space<hbm>>
    tpu.wait_indirect_dma semaphore(%arg11 : memref<!tpu.dma_semaphore, #tpu.memory_space<semaphore_mem>>) src(%dma_wait3A_65 : memref<1000000x32xf32, #tpu.memory_space<hbm>>) dst(%arg7 : memref<1600x32xf32, #tpu.memory_space<vmem>>)
    %add3A_66 = arith.constant 6400 : i32
    %add3A_67 = arith.addi %mul3A_2, %add3A_66 : i32
    %dma_start3A_68 = tpu.memref_slice %arg2[%add3A_67] : memref<819200xi32, #tpu.memory_space<hbm>> -> memref<1600xi32, #tpu.memory_space<hbm>>
    %dma_start3A_69 = tpu.memref_slice %arg2[%add3A_67] : memref<819200xi32, #tpu.memory_space<hbm>> -> memref<1600xi32, #tpu.memory_space<hbm>>
    tpu.enqueue_dma source(%dma_start3A_69 : memref<1600xi32, #tpu.memory_space<hbm>>) target(%arg5 : memref<1600xi32, #tpu.memory_space<vmem>>) target_semaphore(%arg9 : memref<!tpu.dma_semaphore, #tpu.memory_space<semaphore_mem>>)
    %add3A_70 = arith.constant 3200 : i32
    %add3A_71 = arith.addi %mul3A_2, %add3A_70 : i32
    %dma_start3A_72 = arith.constant 0 : i32
    %dma_start3A_73 = tpu.memref_slice %arg4[%add3A_71, %dma_start3A_72] : memref<819200x32xf32, #tpu.memory_space<hbm>> -> memref<1600x32xf32, #tpu.memory_space<hbm>>
    %dma_start3A_74 = arith.constant 0 : i32
    %dma_start3A_75 = tpu.memref_slice %arg4[%add3A_71, %dma_start3A_74] : memref<819200x32xf32, #tpu.memory_space<hbm>> -> memref<1600x32xf32, #tpu.memory_space<hbm>>
    tpu.enqueue_dma source(%arg7 : memref<1600x32xf32, #tpu.memory_space<vmem>>) target(%dma_start3A_75 : memref<1600x32xf32, #tpu.memory_space<hbm>>) target_semaphore(%arg13 : memref<!tpu.dma_semaphore, #tpu.memory_space<semaphore_mem>>)
    %dma_wait3A_76 = tpu.memref_slice %arg2[%add3A_67] : memref<819200xi32, #tpu.memory_space<hbm>> -> memref<1600xi32, #tpu.memory_space<hbm>>
    %dma_wait3A_77 = tpu.memref_slice %arg2[%add3A_67] : memref<819200xi32, #tpu.memory_space<hbm>> -> memref<1600xi32, #tpu.memory_space<hbm>>
    tpu.wait_dma2 semaphore(%arg9 : memref<!tpu.dma_semaphore, #tpu.memory_space<semaphore_mem>>) src(%dma_wait3A_77 : memref<1600xi32, #tpu.memory_space<hbm>>) dst(%arg5 : memref<1600xi32, #tpu.memory_space<vmem>>)
    %dma_wait3A_78 = arith.constant 0 : i32
    %dma_wait3A_79 = tpu.memref_slice %arg4[%add3A_71, %dma_wait3A_78] : memref<819200x32xf32, #tpu.memory_space<hbm>> -> memref<1600x32xf32, #tpu.memory_space<hbm>>
    %dma_wait3A_80 = arith.constant 0 : i32
    %dma_wait3A_81 = tpu.memref_slice %arg4[%add3A_71, %dma_wait3A_80] : memref<819200x32xf32, #tpu.memory_space<hbm>> -> memref<1600x32xf32, #tpu.memory_space<hbm>>
    tpu.wait_dma2 semaphore(%arg13 : memref<!tpu.dma_semaphore, #tpu.memory_space<semaphore_mem>>) src(%arg7 : memref<1600x32xf32, #tpu.memory_space<vmem>>) dst(%dma_wait3A_81 : memref<1600x32xf32, #tpu.memory_space<hbm>>)
    %dma_start3A_82 = arith.constant 0 : i32
    %dma_start3A_83 = arith.constant 0 : i32
    %dma_start3A_84 = tpu.memref_slice %arg3[%dma_start3A_82, %dma_start3A_83] : memref<1000000x32xf32, #tpu.memory_space<hbm>> -> memref<1000000x32xf32, #tpu.memory_space<hbm>>
    tpu.enqueue_indirect_dma source(%dma_start3A_84 : memref<1000000x32xf32, #tpu.memory_space<hbm>>) target(%arg7 : memref<1600x32xf32, #tpu.memory_space<vmem>>) offsets(%arg5 : memref<1600xi32, #tpu.memory_space<vmem>>) semaphore(%arg11 : memref<!tpu.dma_semaphore, #tpu.memory_space<semaphore_mem>>)
    %dma_wait3A_85 = arith.constant 0 : i32
    %dma_wait3A_86 = arith.constant 0 : i32
    %dma_wait3A_87 = tpu.memref_slice %arg3[%dma_wait3A_85, %dma_wait3A_86] : memref<1000000x32xf32, #tpu.memory_space<hbm>> -> memref<1000000x32xf32, #tpu.memory_space<hbm>>
    tpu.wait_indirect_dma semaphore(%arg12 : memref<!tpu.dma_semaphore, #tpu.memory_space<semaphore_mem>>) src(%dma_wait3A_87 : memref<1000000x32xf32, #tpu.memory_space<hbm>>) dst(%arg8 : memref<1600x32xf32, #tpu.memory_space<vmem>>)
    %add3A_88 = arith.constant 8000 : i32
    %add3A_89 = arith.addi %mul3A_2, %add3A_88 : i32
    %dma_start3A_90 = tpu.memref_slice %arg2[%add3A_89] : memref<819200xi32, #tpu.memory_space<hbm>> -> memref<1600xi32, #tpu.memory_space<hbm>>
    %dma_start3A_91 = tpu.memref_slice %arg2[%add3A_89] : memref<819200xi32, #tpu.memory_space<hbm>> -> memref<1600xi32, #tpu.memory_space<hbm>>
    tpu.enqueue_dma source(%dma_start3A_91 : memref<1600xi32, #tpu.memory_space<hbm>>) target(%arg6 : memref<1600xi32, #tpu.memory_space<vmem>>) target_semaphore(%arg10 : memref<!tpu.dma_semaphore, #tpu.memory_space<semaphore_mem>>)
    %add3A_92 = arith.constant 4800 : i32
    %add3A_93 = arith.addi %mul3A_2, %add3A_92 : i32
    %dma_start3A_94 = arith.constant 0 : i32
    %dma_start3A_95 = tpu.memref_slice %arg4[%add3A_93, %dma_start3A_94] : memref<819200x32xf32, #tpu.memory_space<hbm>> -> memref<1600x32xf32, #tpu.memory_space<hbm>>
    %dma_start3A_96 = arith.constant 0 : i32
    %dma_start3A_97 = tpu.memref_slice %arg4[%add3A_93, %dma_start3A_96] : memref<819200x32xf32, #tpu.memory_space<hbm>> -> memref<1600x32xf32, #tpu.memory_space<hbm>>
    tpu.enqueue_dma source(%arg8 : memref<1600x32xf32, #tpu.memory_space<vmem>>) target(%dma_start3A_97 : memref<1600x32xf32, #tpu.memory_space<hbm>>) target_semaphore(%arg14 : memref<!tpu.dma_semaphore, #tpu.memory_space<semaphore_mem>>)
    %dma_wait3A_98 = tpu.memref_slice %arg2[%add3A_89] : memref<819200xi32, #tpu.memory_space<hbm>> -> memref<1600xi32, #tpu.memory_space<hbm>>
    %dma_wait3A_99 = tpu.memref_slice %arg2[%add3A_89] : memref<819200xi32, #tpu.memory_space<hbm>> -> memref<1600xi32, #tpu.memory_space<hbm>>
    tpu.wait_dma2 semaphore(%arg10 : memref<!tpu.dma_semaphore, #tpu.memory_space<semaphore_mem>>) src(%dma_wait3A_99 : memref<1600xi32, #tpu.memory_space<hbm>>) dst(%arg6 : memref<1600xi32, #tpu.memory_space<vmem>>)
    %dma_wait3A_100 = arith.constant 0 : i32
    %dma_wait3A_101 = tpu.memref_slice %arg4[%add3A_93, %dma_wait3A_100] : memref<819200x32xf32, #tpu.memory_space<hbm>> -> memref<1600x32xf32, #tpu.memory_space<hbm>>
    %dma_wait3A_102 = arith.constant 0 : i32
    %dma_wait3A_103 = tpu.memref_slice %arg4[%add3A_93, %dma_wait3A_102] : memref<819200x32xf32, #tpu.memory_space<hbm>> -> memref<1600x32xf32, #tpu.memory_space<hbm>>
    tpu.wait_dma2 semaphore(%arg14 : memref<!tpu.dma_semaphore, #tpu.memory_space<semaphore_mem>>) src(%arg8 : memref<1600x32xf32, #tpu.memory_space<vmem>>) dst(%dma_wait3A_103 : memref<1600x32xf32, #tpu.memory_space<hbm>>)
    %dma_start3A_104 = arith.constant 0 : i32
    %dma_start3A_105 = arith.constant 0 : i32
    %dma_start3A_106 = tpu.memref_slice %arg3[%dma_start3A_104, %dma_start3A_105] : memref<1000000x32xf32, #tpu.memory_space<hbm>> -> memref<1000000x32xf32, #tpu.memory_space<hbm>>
    tpu.enqueue_indirect_dma source(%dma_start3A_106 : memref<1000000x32xf32, #tpu.memory_space<hbm>>) target(%arg8 : memref<1600x32xf32, #tpu.memory_space<vmem>>) offsets(%arg6 : memref<1600xi32, #tpu.memory_space<vmem>>) semaphore(%arg12 : memref<!tpu.dma_semaphore, #tpu.memory_space<semaphore_mem>>)
    %dma_wait3A_107 = arith.constant 0 : i32
    %dma_wait3A_108 = arith.constant 0 : i32
    %dma_wait3A_109 = tpu.memref_slice %arg3[%dma_wait3A_107, %dma_wait3A_108] : memref<1000000x32xf32, #tpu.memory_space<hbm>> -> memref<1000000x32xf32, #tpu.memory_space<hbm>>
    tpu.wait_indirect_dma semaphore(%arg11 : memref<!tpu.dma_semaphore, #tpu.memory_space<semaphore_mem>>) src(%dma_wait3A_109 : memref<1000000x32xf32, #tpu.memory_space<hbm>>) dst(%arg7 : memref<1600x32xf32, #tpu.memory_space<vmem>>)
    %add3A_110 = arith.constant 9600 : i32
    %add3A_111 = arith.addi %mul3A_2, %add3A_110 : i32
    %dma_start3A_112 = tpu.memref_slice %arg2[%add3A_111] : memref<819200xi32, #tpu.memory_space<hbm>> -> memref<1600xi32, #tpu.memory_space<hbm>>
    %dma_start3A_113 = tpu.memref_slice %arg2[%add3A_111] : memref<819200xi32, #tpu.memory_space<hbm>> -> memref<1600xi32, #tpu.memory_space<hbm>>
    tpu.enqueue_dma source(%dma_start3A_113 : memref<1600xi32, #tpu.memory_space<hbm>>) target(%arg5 : memref<1600xi32, #tpu.memory_space<vmem>>) target_semaphore(%arg9 : memref<!tpu.dma_semaphore, #tpu.memory_space<semaphore_mem>>)
    %add3A_114 = arith.constant 6400 : i32
    %add3A_115 = arith.addi %mul3A_2, %add3A_114 : i32
    %dma_start3A_116 = arith.constant 0 : i32
    %dma_start3A_117 = tpu.memref_slice %arg4[%add3A_115, %dma_start3A_116] : memref<819200x32xf32, #tpu.memory_space<hbm>> -> memref<1600x32xf32, #tpu.memory_space<hbm>>
    %dma_start3A_118 = arith.constant 0 : i32
    %dma_start3A_119 = tpu.memref_slice %arg4[%add3A_115, %dma_start3A_118] : memref<819200x32xf32, #tpu.memory_space<hbm>> -> memref<1600x32xf32, #tpu.memory_space<hbm>>
    tpu.enqueue_dma source(%arg7 : memref<1600x32xf32, #tpu.memory_space<vmem>>) target(%dma_start3A_119 : memref<1600x32xf32, #tpu.memory_space<hbm>>) target_semaphore(%arg13 : memref<!tpu.dma_semaphore, #tpu.memory_space<semaphore_mem>>)
    %dma_wait3A_120 = tpu.memref_slice %arg2[%add3A_111] : memref<819200xi32, #tpu.memory_space<hbm>> -> memref<1600xi32, #tpu.memory_space<hbm>>
    %dma_wait3A_121 = tpu.memref_slice %arg2[%add3A_111] : memref<819200xi32, #tpu.memory_space<hbm>> -> memref<1600xi32, #tpu.memory_space<hbm>>
    tpu.wait_dma2 semaphore(%arg9 : memref<!tpu.dma_semaphore, #tpu.memory_space<semaphore_mem>>) src(%dma_wait3A_121 : memref<1600xi32, #tpu.memory_space<hbm>>) dst(%arg5 : memref<1600xi32, #tpu.memory_space<vmem>>)
    %dma_wait3A_122 = arith.constant 0 : i32
    %dma_wait3A_123 = tpu.memref_slice %arg4[%add3A_115, %dma_wait3A_122] : memref<819200x32xf32, #tpu.memory_space<hbm>> -> memref<1600x32xf32, #tpu.memory_space<hbm>>
    %dma_wait3A_124 = arith.constant 0 : i32
    %dma_wait3A_125 = tpu.memref_slice %arg4[%add3A_115, %dma_wait3A_124] : memref<819200x32xf32, #tpu.memory_space<hbm>> -> memref<1600x32xf32, #tpu.memory_space<hbm>>
    tpu.wait_dma2 semaphore(%arg13 : memref<!tpu.dma_semaphore, #tpu.memory_space<semaphore_mem>>) src(%arg7 : memref<1600x32xf32, #tpu.memory_space<vmem>>) dst(%dma_wait3A_125 : memref<1600x32xf32, #tpu.memory_space<hbm>>)
    %dma_start3A_126 = arith.constant 0 : i32
    %dma_start3A_127 = arith.constant 0 : i32
    %dma_start3A_128 = tpu.memref_slice %arg3[%dma_start3A_126, %dma_start3A_127] : memref<1000000x32xf32, #tpu.memory_space<hbm>> -> memref<1000000x32xf32, #tpu.memory_space<hbm>>
    tpu.enqueue_indirect_dma source(%dma_start3A_128 : memref<1000000x32xf32, #tpu.memory_space<hbm>>) target(%arg7 : memref<1600x32xf32, #tpu.memory_space<vmem>>) offsets(%arg5 : memref<1600xi32, #tpu.memory_space<vmem>>) semaphore(%arg11 : memref<!tpu.dma_semaphore, #tpu.memory_space<semaphore_mem>>)
    %dma_wait3A_129 = arith.constant 0 : i32
    %dma_wait3A_130 = arith.constant 0 : i32
    %dma_wait3A_131 = tpu.memref_slice %arg3[%dma_wait3A_129, %dma_wait3A_130] : memref<1000000x32xf32, #tpu.memory_space<hbm>> -> memref<1000000x32xf32, #tpu.memory_space<hbm>>
    tpu.wait_indirect_dma semaphore(%arg12 : memref<!tpu.dma_semaphore, #tpu.memory_space<semaphore_mem>>) src(%dma_wait3A_131 : memref<1000000x32xf32, #tpu.memory_space<hbm>>) dst(%arg8 : memref<1600x32xf32, #tpu.memory_space<vmem>>)
    %add3A_132 = arith.constant 11200 : i32
    %add3A_133 = arith.addi %mul3A_2, %add3A_132 : i32
    %dma_start3A_134 = tpu.memref_slice %arg2[%add3A_133] : memref<819200xi32, #tpu.memory_space<hbm>> -> memref<1600xi32, #tpu.memory_space<hbm>>
    %dma_start3A_135 = tpu.memref_slice %arg2[%add3A_133] : memref<819200xi32, #tpu.memory_space<hbm>> -> memref<1600xi32, #tpu.memory_space<hbm>>
    tpu.enqueue_dma source(%dma_start3A_135 : memref<1600xi32, #tpu.memory_space<hbm>>) target(%arg6 : memref<1600xi32, #tpu.memory_space<vmem>>) target_semaphore(%arg10 : memref<!tpu.dma_semaphore, #tpu.memory_space<semaphore_mem>>)
    %add3A_136 = arith.constant 8000 : i32
    %add3A_137 = arith.addi %mul3A_2, %add3A_136 : i32
    %dma_start3A_138 = arith.constant 0 : i32
    %dma_start3A_139 = tpu.memref_slice %arg4[%add3A_137, %dma_start3A_138] : memref<819200x32xf32, #tpu.memory_space<hbm>> -> memref<1600x32xf32, #tpu.memory_space<hbm>>
    %dma_start3A_140 = arith.constant 0 : i32
    %dma_start3A_141 = tpu.memref_slice %arg4[%add3A_137, %dma_start3A_140] : memref<819200x32xf32, #tpu.memory_space<hbm>> -> memref<1600x32xf32, #tpu.memory_space<hbm>>
    tpu.enqueue_dma source(%arg8 : memref<1600x32xf32, #tpu.memory_space<vmem>>) target(%dma_start3A_141 : memref<1600x32xf32, #tpu.memory_space<hbm>>) target_semaphore(%arg14 : memref<!tpu.dma_semaphore, #tpu.memory_space<semaphore_mem>>)
    %dma_wait3A_142 = tpu.memref_slice %arg2[%add3A_133] : memref<819200xi32, #tpu.memory_space<hbm>> -> memref<1600xi32, #tpu.memory_space<hbm>>
    %dma_wait3A_143 = tpu.memref_slice %arg2[%add3A_133] : memref<819200xi32, #tpu.memory_space<hbm>> -> memref<1600xi32, #tpu.memory_space<hbm>>
    tpu.wait_dma2 semaphore(%arg10 : memref<!tpu.dma_semaphore, #tpu.memory_space<semaphore_mem>>) src(%dma_wait3A_143 : memref<1600xi32, #tpu.memory_space<hbm>>) dst(%arg6 : memref<1600xi32, #tpu.memory_space<vmem>>)
    %dma_wait3A_144 = arith.constant 0 : i32
    %dma_wait3A_145 = tpu.memref_slice %arg4[%add3A_137, %dma_wait3A_144] : memref<819200x32xf32, #tpu.memory_space<hbm>> -> memref<1600x32xf32, #tpu.memory_space<hbm>>
    %dma_wait3A_146 = arith.constant 0 : i32
    %dma_wait3A_147 = tpu.memref_slice %arg4[%add3A_137, %dma_wait3A_146] : memref<819200x32xf32, #tpu.memory_space<hbm>> -> memref<1600x32xf32, #tpu.memory_space<hbm>>
    tpu.wait_dma2 semaphore(%arg14 : memref<!tpu.dma_semaphore, #tpu.memory_space<semaphore_mem>>) src(%arg8 : memref<1600x32xf32, #tpu.memory_space<vmem>>) dst(%dma_wait3A_147 : memref<1600x32xf32, #tpu.memory_space<hbm>>)
    %dma_start3A_148 = arith.constant 0 : i32
    %dma_start3A_149 = arith.constant 0 : i32
    %dma_start3A_150 = tpu.memref_slice %arg3[%dma_start3A_148, %dma_start3A_149] : memref<1000000x32xf32, #tpu.memory_space<hbm>> -> memref<1000000x32xf32, #tpu.memory_space<hbm>>
    tpu.enqueue_indirect_dma source(%dma_start3A_150 : memref<1000000x32xf32, #tpu.memory_space<hbm>>) target(%arg8 : memref<1600x32xf32, #tpu.memory_space<vmem>>) offsets(%arg6 : memref<1600xi32, #tpu.memory_space<vmem>>) semaphore(%arg12 : memref<!tpu.dma_semaphore, #tpu.memory_space<semaphore_mem>>)
    %dma_wait3A_151 = arith.constant 0 : i32
    %dma_wait3A_152 = arith.constant 0 : i32
    %dma_wait3A_153 = tpu.memref_slice %arg3[%dma_wait3A_151, %dma_wait3A_152] : memref<1000000x32xf32, #tpu.memory_space<hbm>> -> memref<1000000x32xf32, #tpu.memory_space<hbm>>
    tpu.wait_indirect_dma semaphore(%arg11 : memref<!tpu.dma_semaphore, #tpu.memory_space<semaphore_mem>>) src(%dma_wait3A_153 : memref<1000000x32xf32, #tpu.memory_space<hbm>>) dst(%arg7 : memref<1600x32xf32, #tpu.memory_space<vmem>>)
    %add3A_154 = arith.constant 12800 : i32
    %add3A_155 = arith.addi %mul3A_2, %add3A_154 : i32
    %dma_start3A_156 = tpu.memref_slice %arg2[%add3A_155] : memref<819200xi32, #tpu.memory_space<hbm>> -> memref<1600xi32, #tpu.memory_space<hbm>>
    %dma_start3A_157 = tpu.memref_slice %arg2[%add3A_155] : memref<819200xi32, #tpu.memory_space<hbm>> -> memref<1600xi32, #tpu.memory_space<hbm>>
    tpu.enqueue_dma source(%dma_start3A_157 : memref<1600xi32, #tpu.memory_space<hbm>>) target(%arg5 : memref<1600xi32, #tpu.memory_space<vmem>>) target_semaphore(%arg9 : memref<!tpu.dma_semaphore, #tpu.memory_space<semaphore_mem>>)
    %add3A_158 = arith.constant 9600 : i32
    %add3A_159 = arith.addi %mul3A_2, %add3A_158 : i32
    %dma_start3A_160 = arith.constant 0 : i32
    %dma_start3A_161 = tpu.memref_slice %arg4[%add3A_159, %dma_start3A_160] : memref<819200x32xf32, #tpu.memory_space<hbm>> -> memref<1600x32xf32, #tpu.memory_space<hbm>>
    %dma_start3A_162 = arith.constant 0 : i32
    %dma_start3A_163 = tpu.memref_slice %arg4[%add3A_159, %dma_start3A_162] : memref<819200x32xf32, #tpu.memory_space<hbm>> -> memref<1600x32xf32, #tpu.memory_space<hbm>>
    tpu.enqueue_dma source(%arg7 : memref<1600x32xf32, #tpu.memory_space<vmem>>) target(%dma_start3A_163 : memref<1600x32xf32, #tpu.memory_space<hbm>>) target_semaphore(%arg13 : memref<!tpu.dma_semaphore, #tpu.memory_space<semaphore_mem>>)
    %dma_wait3A_164 = tpu.memref_slice %arg2[%add3A_155] : memref<819200xi32, #tpu.memory_space<hbm>> -> memref<1600xi32, #tpu.memory_space<hbm>>
    %dma_wait3A_165 = tpu.memref_slice %arg2[%add3A_155] : memref<819200xi32, #tpu.memory_space<hbm>> -> memref<1600xi32, #tpu.memory_space<hbm>>
    tpu.wait_dma2 semaphore(%arg9 : memref<!tpu.dma_semaphore, #tpu.memory_space<semaphore_mem>>) src(%dma_wait3A_165 : memref<1600xi32, #tpu.memory_space<hbm>>) dst(%arg5 : memref<1600xi32, #tpu.memory_space<vmem>>)
    %dma_wait3A_166 = arith.constant 0 : i32
    %dma_wait3A_167 = tpu.memref_slice %arg4[%add3A_159, %dma_wait3A_166] : memref<819200x32xf32, #tpu.memory_space<hbm>> -> memref<1600x32xf32, #tpu.memory_space<hbm>>
    %dma_wait3A_168 = arith.constant 0 : i32
    %dma_wait3A_169 = tpu.memref_slice %arg4[%add3A_159, %dma_wait3A_168] : memref<819200x32xf32, #tpu.memory_space<hbm>> -> memref<1600x32xf32, #tpu.memory_space<hbm>>
    tpu.wait_dma2 semaphore(%arg13 : memref<!tpu.dma_semaphore, #tpu.memory_space<semaphore_mem>>) src(%arg7 : memref<1600x32xf32, #tpu.memory_space<vmem>>) dst(%dma_wait3A_169 : memref<1600x32xf32, #tpu.memory_space<hbm>>)
    %dma_start3A_170 = arith.constant 0 : i32
    %dma_start3A_171 = arith.constant 0 : i32
    %dma_start3A_172 = tpu.memref_slice %arg3[%dma_start3A_170, %dma_start3A_171] : memref<1000000x32xf32, #tpu.memory_space<hbm>> -> memref<1000000x32xf32, #tpu.memory_space<hbm>>
    tpu.enqueue_indirect_dma source(%dma_start3A_172 : memref<1000000x32xf32, #tpu.memory_space<hbm>>) target(%arg7 : memref<1600x32xf32, #tpu.memory_space<vmem>>) offsets(%arg5 : memref<1600xi32, #tpu.memory_space<vmem>>) semaphore(%arg11 : memref<!tpu.dma_semaphore, #tpu.memory_space<semaphore_mem>>)
    %dma_wait3A_173 = arith.constant 0 : i32
    %dma_wait3A_174 = arith.constant 0 : i32
    %dma_wait3A_175 = tpu.memref_slice %arg3[%dma_wait3A_173, %dma_wait3A_174] : memref<1000000x32xf32, #tpu.memory_space<hbm>> -> memref<1000000x32xf32, #tpu.memory_space<hbm>>
    tpu.wait_indirect_dma semaphore(%arg12 : memref<!tpu.dma_semaphore, #tpu.memory_space<semaphore_mem>>) src(%dma_wait3A_175 : memref<1000000x32xf32, #tpu.memory_space<hbm>>) dst(%arg8 : memref<1600x32xf32, #tpu.memory_space<vmem>>)
    %add3A_176 = arith.constant 14400 : i32
    %add3A_177 = arith.addi %mul3A_2, %add3A_176 : i32
    %dma_start3A_178 = tpu.memref_slice %arg2[%add3A_177] : memref<819200xi32, #tpu.memory_space<hbm>> -> memref<1600xi32, #tpu.memory_space<hbm>>
    %dma_start3A_179 = tpu.memref_slice %arg2[%add3A_177] : memref<819200xi32, #tpu.memory_space<hbm>> -> memref<1600xi32, #tpu.memory_space<hbm>>
    tpu.enqueue_dma source(%dma_start3A_179 : memref<1600xi32, #tpu.memory_space<hbm>>) target(%arg6 : memref<1600xi32, #tpu.memory_space<vmem>>) target_semaphore(%arg10 : memref<!tpu.dma_semaphore, #tpu.memory_space<semaphore_mem>>)
    %add3A_180 = arith.constant 11200 : i32
    %add3A_181 = arith.addi %mul3A_2, %add3A_180 : i32
    %dma_start3A_182 = arith.constant 0 : i32
    %dma_start3A_183 = tpu.memref_slice %arg4[%add3A_181, %dma_start3A_182] : memref<819200x32xf32, #tpu.memory_space<hbm>> -> memref<1600x32xf32, #tpu.memory_space<hbm>>
    %dma_start3A_184 = arith.constant 0 : i32
    %dma_start3A_185 = tpu.memref_slice %arg4[%add3A_181, %dma_start3A_184] : memref<819200x32xf32, #tpu.memory_space<hbm>> -> memref<1600x32xf32, #tpu.memory_space<hbm>>
    tpu.enqueue_dma source(%arg8 : memref<1600x32xf32, #tpu.memory_space<vmem>>) target(%dma_start3A_185 : memref<1600x32xf32, #tpu.memory_space<hbm>>) target_semaphore(%arg14 : memref<!tpu.dma_semaphore, #tpu.memory_space<semaphore_mem>>)
    %dma_wait3A_186 = tpu.memref_slice %arg2[%add3A_177] : memref<819200xi32, #tpu.memory_space<hbm>> -> memref<1600xi32, #tpu.memory_space<hbm>>
    %dma_wait3A_187 = tpu.memref_slice %arg2[%add3A_177] : memref<819200xi32, #tpu.memory_space<hbm>> -> memref<1600xi32, #tpu.memory_space<hbm>>
    tpu.wait_dma2 semaphore(%arg10 : memref<!tpu.dma_semaphore, #tpu.memory_space<semaphore_mem>>) src(%dma_wait3A_187 : memref<1600xi32, #tpu.memory_space<hbm>>) dst(%arg6 : memref<1600xi32, #tpu.memory_space<vmem>>)
    %dma_wait3A_188 = arith.constant 0 : i32
    %dma_wait3A_189 = tpu.memref_slice %arg4[%add3A_181, %dma_wait3A_188] : memref<819200x32xf32, #tpu.memory_space<hbm>> -> memref<1600x32xf32, #tpu.memory_space<hbm>>
    %dma_wait3A_190 = arith.constant 0 : i32
    %dma_wait3A_191 = tpu.memref_slice %arg4[%add3A_181, %dma_wait3A_190] : memref<819200x32xf32, #tpu.memory_space<hbm>> -> memref<1600x32xf32, #tpu.memory_space<hbm>>
    tpu.wait_dma2 semaphore(%arg14 : memref<!tpu.dma_semaphore, #tpu.memory_space<semaphore_mem>>) src(%arg8 : memref<1600x32xf32, #tpu.memory_space<vmem>>) dst(%dma_wait3A_191 : memref<1600x32xf32, #tpu.memory_space<hbm>>)
    %dma_start3A_192 = arith.constant 0 : i32
    %dma_start3A_193 = arith.constant 0 : i32
    %dma_start3A_194 = tpu.memref_slice %arg3[%dma_start3A_192, %dma_start3A_193] : memref<1000000x32xf32, #tpu.memory_space<hbm>> -> memref<1000000x32xf32, #tpu.memory_space<hbm>>
    tpu.enqueue_indirect_dma source(%dma_start3A_194 : memref<1000000x32xf32, #tpu.memory_space<hbm>>) target(%arg8 : memref<1600x32xf32, #tpu.memory_space<vmem>>) offsets(%arg6 : memref<1600xi32, #tpu.memory_space<vmem>>) semaphore(%arg12 : memref<!tpu.dma_semaphore, #tpu.memory_space<semaphore_mem>>)
    %dma_wait3A_195 = arith.constant 0 : i32
    %dma_wait3A_196 = arith.constant 0 : i32
    %dma_wait3A_197 = tpu.memref_slice %arg3[%dma_wait3A_195, %dma_wait3A_196] : memref<1000000x32xf32, #tpu.memory_space<hbm>> -> memref<1000000x32xf32, #tpu.memory_space<hbm>>
    tpu.wait_indirect_dma semaphore(%arg11 : memref<!tpu.dma_semaphore, #tpu.memory_space<semaphore_mem>>) src(%dma_wait3A_197 : memref<1000000x32xf32, #tpu.memory_space<hbm>>) dst(%arg7 : memref<1600x32xf32, #tpu.memory_space<vmem>>)
    %add3A_198 = arith.constant 16000 : i32
    %add3A_199 = arith.addi %mul3A_2, %add3A_198 : i32
    %dma_start3A_200 = tpu.memref_slice %arg2[%add3A_199] : memref<819200xi32, #tpu.memory_space<hbm>> -> memref<1600xi32, #tpu.memory_space<hbm>>
    %dma_start3A_201 = tpu.memref_slice %arg2[%add3A_199] : memref<819200xi32, #tpu.memory_space<hbm>> -> memref<1600xi32, #tpu.memory_space<hbm>>
    tpu.enqueue_dma source(%dma_start3A_201 : memref<1600xi32, #tpu.memory_space<hbm>>) target(%arg5 : memref<1600xi32, #tpu.memory_space<vmem>>) target_semaphore(%arg9 : memref<!tpu.dma_semaphore, #tpu.memory_space<semaphore_mem>>)
    %add3A_202 = arith.constant 12800 : i32
    %add3A_203 = arith.addi %mul3A_2, %add3A_202 : i32
    %dma_start3A_204 = arith.constant 0 : i32
    %dma_start3A_205 = tpu.memref_slice %arg4[%add3A_203, %dma_start3A_204] : memref<819200x32xf32, #tpu.memory_space<hbm>> -> memref<1600x32xf32, #tpu.memory_space<hbm>>
    %dma_start3A_206 = arith.constant 0 : i32
    %dma_start3A_207 = tpu.memref_slice %arg4[%add3A_203, %dma_start3A_206] : memref<819200x32xf32, #tpu.memory_space<hbm>> -> memref<1600x32xf32, #tpu.memory_space<hbm>>
    tpu.enqueue_dma source(%arg7 : memref<1600x32xf32, #tpu.memory_space<vmem>>) target(%dma_start3A_207 : memref<1600x32xf32, #tpu.memory_space<hbm>>) target_semaphore(%arg13 : memref<!tpu.dma_semaphore, #tpu.memory_space<semaphore_mem>>)
    %dma_wait3A_208 = tpu.memref_slice %arg2[%add3A_199] : memref<819200xi32, #tpu.memory_space<hbm>> -> memref<1600xi32, #tpu.memory_space<hbm>>
    %dma_wait3A_209 = tpu.memref_slice %arg2[%add3A_199] : memref<819200xi32, #tpu.memory_space<hbm>> -> memref<1600xi32, #tpu.memory_space<hbm>>
    tpu.wait_dma2 semaphore(%arg9 : memref<!tpu.dma_semaphore, #tpu.memory_space<semaphore_mem>>) src(%dma_wait3A_209 : memref<1600xi32, #tpu.memory_space<hbm>>) dst(%arg5 : memref<1600xi32, #tpu.memory_space<vmem>>)
    %dma_wait3A_210 = arith.constant 0 : i32
    %dma_wait3A_211 = tpu.memref_slice %arg4[%add3A_203, %dma_wait3A_210] : memref<819200x32xf32, #tpu.memory_space<hbm>> -> memref<1600x32xf32, #tpu.memory_space<hbm>>
    %dma_wait3A_212 = arith.constant 0 : i32
    %dma_wait3A_213 = tpu.memref_slice %arg4[%add3A_203, %dma_wait3A_212] : memref<819200x32xf32, #tpu.memory_space<hbm>> -> memref<1600x32xf32, #tpu.memory_space<hbm>>
    tpu.wait_dma2 semaphore(%arg13 : memref<!tpu.dma_semaphore, #tpu.memory_space<semaphore_mem>>) src(%arg7 : memref<1600x32xf32, #tpu.memory_space<vmem>>) dst(%dma_wait3A_213 : memref<1600x32xf32, #tpu.memory_space<hbm>>)
    %dma_start3A_214 = arith.constant 0 : i32
    %dma_start3A_215 = arith.constant 0 : i32
    %dma_start3A_216 = tpu.memref_slice %arg3[%dma_start3A_214, %dma_start3A_215] : memref<1000000x32xf32, #tpu.memory_space<hbm>> -> memref<1000000x32xf32, #tpu.memory_space<hbm>>
    tpu.enqueue_indirect_dma source(%dma_start3A_216 : memref<1000000x32xf32, #tpu.memory_space<hbm>>) target(%arg7 : memref<1600x32xf32, #tpu.memory_space<vmem>>) offsets(%arg5 : memref<1600xi32, #tpu.memory_space<vmem>>) semaphore(%arg11 : memref<!tpu.dma_semaphore, #tpu.memory_space<semaphore_mem>>)
    %dma_wait3A_217 = arith.constant 0 : i32
    %dma_wait3A_218 = arith.constant 0 : i32
    %dma_wait3A_219 = tpu.memref_slice %arg3[%dma_wait3A_217, %dma_wait3A_218] : memref<1000000x32xf32, #tpu.memory_space<hbm>> -> memref<1000000x32xf32, #tpu.memory_space<hbm>>
    tpu.wait_indirect_dma semaphore(%arg12 : memref<!tpu.dma_semaphore, #tpu.memory_space<semaphore_mem>>) src(%dma_wait3A_219 : memref<1000000x32xf32, #tpu.memory_space<hbm>>) dst(%arg8 : memref<1600x32xf32, #tpu.memory_space<vmem>>)
    %add3A_220 = arith.constant 17600 : i32
    %add3A_221 = arith.addi %mul3A_2, %add3A_220 : i32
    %dma_start3A_222 = tpu.memref_slice %arg2[%add3A_221] : memref<819200xi32, #tpu.memory_space<hbm>> -> memref<1600xi32, #tpu.memory_space<hbm>>
    %dma_start3A_223 = tpu.memref_slice %arg2[%add3A_221] : memref<819200xi32, #tpu.memory_space<hbm>> -> memref<1600xi32, #tpu.memory_space<hbm>>
    tpu.enqueue_dma source(%dma_start3A_223 : memref<1600xi32, #tpu.memory_space<hbm>>) target(%arg6 : memref<1600xi32, #tpu.memory_space<vmem>>) target_semaphore(%arg10 : memref<!tpu.dma_semaphore, #tpu.memory_space<semaphore_mem>>)
    %add3A_224 = arith.constant 14400 : i32
    %add3A_225 = arith.addi %mul3A_2, %add3A_224 : i32
    %dma_start3A_226 = arith.constant 0 : i32
    %dma_start3A_227 = tpu.memref_slice %arg4[%add3A_225, %dma_start3A_226] : memref<819200x32xf32, #tpu.memory_space<hbm>> -> memref<1600x32xf32, #tpu.memory_space<hbm>>
    %dma_start3A_228 = arith.constant 0 : i32
    %dma_start3A_229 = tpu.memref_slice %arg4[%add3A_225, %dma_start3A_228] : memref<819200x32xf32, #tpu.memory_space<hbm>> -> memref<1600x32xf32, #tpu.memory_space<hbm>>
    tpu.enqueue_dma source(%arg8 : memref<1600x32xf32, #tpu.memory_space<vmem>>) target(%dma_start3A_229 : memref<1600x32xf32, #tpu.memory_space<hbm>>) target_semaphore(%arg14 : memref<!tpu.dma_semaphore, #tpu.memory_space<semaphore_mem>>)
    %dma_wait3A_230 = tpu.memref_slice %arg2[%add3A_221] : memref<819200xi32, #tpu.memory_space<hbm>> -> memref<1600xi32, #tpu.memory_space<hbm>>
    %dma_wait3A_231 = tpu.memref_slice %arg2[%add3A_221] : memref<819200xi32, #tpu.memory_space<hbm>> -> memref<1600xi32, #tpu.memory_space<hbm>>
    tpu.wait_dma2 semaphore(%arg10 : memref<!tpu.dma_semaphore, #tpu.memory_space<semaphore_mem>>) src(%dma_wait3A_231 : memref<1600xi32, #tpu.memory_space<hbm>>) dst(%arg6 : memref<1600xi32, #tpu.memory_space<vmem>>)
    %dma_wait3A_232 = arith.constant 0 : i32
    %dma_wait3A_233 = tpu.memref_slice %arg4[%add3A_225, %dma_wait3A_232] : memref<819200x32xf32, #tpu.memory_space<hbm>> -> memref<1600x32xf32, #tpu.memory_space<hbm>>
    %dma_wait3A_234 = arith.constant 0 : i32
    %dma_wait3A_235 = tpu.memref_slice %arg4[%add3A_225, %dma_wait3A_234] : memref<819200x32xf32, #tpu.memory_space<hbm>> -> memref<1600x32xf32, #tpu.memory_space<hbm>>
    tpu.wait_dma2 semaphore(%arg14 : memref<!tpu.dma_semaphore, #tpu.memory_space<semaphore_mem>>) src(%arg8 : memref<1600x32xf32, #tpu.memory_space<vmem>>) dst(%dma_wait3A_235 : memref<1600x32xf32, #tpu.memory_space<hbm>>)
    %dma_start3A_236 = arith.constant 0 : i32
    %dma_start3A_237 = arith.constant 0 : i32
    %dma_start3A_238 = tpu.memref_slice %arg3[%dma_start3A_236, %dma_start3A_237] : memref<1000000x32xf32, #tpu.memory_space<hbm>> -> memref<1000000x32xf32, #tpu.memory_space<hbm>>
    tpu.enqueue_indirect_dma source(%dma_start3A_238 : memref<1000000x32xf32, #tpu.memory_space<hbm>>) target(%arg8 : memref<1600x32xf32, #tpu.memory_space<vmem>>) offsets(%arg6 : memref<1600xi32, #tpu.memory_space<vmem>>) semaphore(%arg12 : memref<!tpu.dma_semaphore, #tpu.memory_space<semaphore_mem>>)
    %dma_wait3A_239 = arith.constant 0 : i32
    %dma_wait3A_240 = arith.constant 0 : i32
    %dma_wait3A_241 = tpu.memref_slice %arg3[%dma_wait3A_239, %dma_wait3A_240] : memref<1000000x32xf32, #tpu.memory_space<hbm>> -> memref<1000000x32xf32, #tpu.memory_space<hbm>>
    tpu.wait_indirect_dma semaphore(%arg11 : memref<!tpu.dma_semaphore, #tpu.memory_space<semaphore_mem>>) src(%dma_wait3A_241 : memref<1000000x32xf32, #tpu.memory_space<hbm>>) dst(%arg7 : memref<1600x32xf32, #tpu.memory_space<vmem>>)
    %add3A_242 = arith.constant 19200 : i32
    %add3A_243 = arith.addi %mul3A_2, %add3A_242 : i32
    %dma_start3A_244 = tpu.memref_slice %arg2[%add3A_243] : memref<819200xi32, #tpu.memory_space<hbm>> -> memref<1600xi32, #tpu.memory_space<hbm>>
    %dma_start3A_245 = tpu.memref_slice %arg2[%add3A_243] : memref<819200xi32, #tpu.memory_space<hbm>> -> memref<1600xi32, #tpu.memory_space<hbm>>
    tpu.enqueue_dma source(%dma_start3A_245 : memref<1600xi32, #tpu.memory_space<hbm>>) target(%arg5 : memref<1600xi32, #tpu.memory_space<vmem>>) target_semaphore(%arg9 : memref<!tpu.dma_semaphore, #tpu.memory_space<semaphore_mem>>)
    %add3A_246 = arith.constant 16000 : i32
    %add3A_247 = arith.addi %mul3A_2, %add3A_246 : i32
    %dma_start3A_248 = arith.constant 0 : i32
    %dma_start3A_249 = tpu.memref_slice %arg4[%add3A_247, %dma_start3A_248] : memref<819200x32xf32, #tpu.memory_space<hbm>> -> memref<1600x32xf32, #tpu.memory_space<hbm>>
    %dma_start3A_250 = arith.constant 0 : i32
    %dma_start3A_251 = tpu.memref_slice %arg4[%add3A_247, %dma_start3A_250] : memref<819200x32xf32, #tpu.memory_space<hbm>> -> memref<1600x32xf32, #tpu.memory_space<hbm>>
    tpu.enqueue_dma source(%arg7 : memref<1600x32xf32, #tpu.memory_space<vmem>>) target(%dma_start3A_251 : memref<1600x32xf32, #tpu.memory_space<hbm>>) target_semaphore(%arg13 : memref<!tpu.dma_semaphore, #tpu.memory_space<semaphore_mem>>)
    %dma_wait3A_252 = tpu.memref_slice %arg2[%add3A_243] : memref<819200xi32, #tpu.memory_space<hbm>> -> memref<1600xi32, #tpu.memory_space<hbm>>
    %dma_wait3A_253 = tpu.memref_slice %arg2[%add3A_243] : memref<819200xi32, #tpu.memory_space<hbm>> -> memref<1600xi32, #tpu.memory_space<hbm>>
    tpu.wait_dma2 semaphore(%arg9 : memref<!tpu.dma_semaphore, #tpu.memory_space<semaphore_mem>>) src(%dma_wait3A_253 : memref<1600xi32, #tpu.memory_space<hbm>>) dst(%arg5 : memref<1600xi32, #tpu.memory_space<vmem>>)
    %dma_wait3A_254 = arith.constant 0 : i32
    %dma_wait3A_255 = tpu.memref_slice %arg4[%add3A_247, %dma_wait3A_254] : memref<819200x32xf32, #tpu.memory_space<hbm>> -> memref<1600x32xf32, #tpu.memory_space<hbm>>
    %dma_wait3A_256 = arith.constant 0 : i32
    %dma_wait3A_257 = tpu.memref_slice %arg4[%add3A_247, %dma_wait3A_256] : memref<819200x32xf32, #tpu.memory_space<hbm>> -> memref<1600x32xf32, #tpu.memory_space<hbm>>
    tpu.wait_dma2 semaphore(%arg13 : memref<!tpu.dma_semaphore, #tpu.memory_space<semaphore_mem>>) src(%arg7 : memref<1600x32xf32, #tpu.memory_space<vmem>>) dst(%dma_wait3A_257 : memref<1600x32xf32, #tpu.memory_space<hbm>>)
    %dma_start3A_258 = arith.constant 0 : i32
    %dma_start3A_259 = arith.constant 0 : i32
    %dma_start3A_260 = tpu.memref_slice %arg3[%dma_start3A_258, %dma_start3A_259] : memref<1000000x32xf32, #tpu.memory_space<hbm>> -> memref<1000000x32xf32, #tpu.memory_space<hbm>>
    tpu.enqueue_indirect_dma source(%dma_start3A_260 : memref<1000000x32xf32, #tpu.memory_space<hbm>>) target(%arg7 : memref<1600x32xf32, #tpu.memory_space<vmem>>) offsets(%arg5 : memref<1600xi32, #tpu.memory_space<vmem>>) semaphore(%arg11 : memref<!tpu.dma_semaphore, #tpu.memory_space<semaphore_mem>>)
    %dma_wait3A_261 = arith.constant 0 : i32
    %dma_wait3A_262 = arith.constant 0 : i32
    %dma_wait3A_263 = tpu.memref_slice %arg3[%dma_wait3A_261, %dma_wait3A_262] : memref<1000000x32xf32, #tpu.memory_space<hbm>> -> memref<1000000x32xf32, #tpu.memory_space<hbm>>
    tpu.wait_indirect_dma semaphore(%arg12 : memref<!tpu.dma_semaphore, #tpu.memory_space<semaphore_mem>>) src(%dma_wait3A_263 : memref<1000000x32xf32, #tpu.memory_space<hbm>>) dst(%arg8 : memref<1600x32xf32, #tpu.memory_space<vmem>>)
    %add3A_264 = arith.constant 20800 : i32
    %add3A_265 = arith.addi %mul3A_2, %add3A_264 : i32
    %dma_start3A_266 = tpu.memref_slice %arg2[%add3A_265] : memref<819200xi32, #tpu.memory_space<hbm>> -> memref<1600xi32, #tpu.memory_space<hbm>>
    %dma_start3A_267 = tpu.memref_slice %arg2[%add3A_265] : memref<819200xi32, #tpu.memory_space<hbm>> -> memref<1600xi32, #tpu.memory_space<hbm>>
    tpu.enqueue_dma source(%dma_start3A_267 : memref<1600xi32, #tpu.memory_space<hbm>>) target(%arg6 : memref<1600xi32, #tpu.memory_space<vmem>>) target_semaphore(%arg10 : memref<!tpu.dma_semaphore, #tpu.memory_space<semaphore_mem>>)
    %add3A_268 = arith.constant 17600 : i32
    %add3A_269 = arith.addi %mul3A_2, %add3A_268 : i32
    %dma_start3A_270 = arith.constant 0 : i32
    %dma_start3A_271 = tpu.memref_slice %arg4[%add3A_269, %dma_start3A_270] : memref<819200x32xf32, #tpu.memory_space<hbm>> -> memref<1600x32xf32, #tpu.memory_space<hbm>>
    %dma_start3A_272 = arith.constant 0 : i32
    %dma_start3A_273 = tpu.memref_slice %arg4[%add3A_269, %dma_start3A_272] : memref<819200x32xf32, #tpu.memory_space<hbm>> -> memref<1600x32xf32, #tpu.memory_space<hbm>>
    tpu.enqueue_dma source(%arg8 : memref<1600x32xf32, #tpu.memory_space<vmem>>) target(%dma_start3A_273 : memref<1600x32xf32, #tpu.memory_space<hbm>>) target_semaphore(%arg14 : memref<!tpu.dma_semaphore, #tpu.memory_space<semaphore_mem>>)
    %dma_wait3A_274 = tpu.memref_slice %arg2[%add3A_265] : memref<819200xi32, #tpu.memory_space<hbm>> -> memref<1600xi32, #tpu.memory_space<hbm>>
    %dma_wait3A_275 = tpu.memref_slice %arg2[%add3A_265] : memref<819200xi32, #tpu.memory_space<hbm>> -> memref<1600xi32, #tpu.memory_space<hbm>>
    tpu.wait_dma2 semaphore(%arg10 : memref<!tpu.dma_semaphore, #tpu.memory_space<semaphore_mem>>) src(%dma_wait3A_275 : memref<1600xi32, #tpu.memory_space<hbm>>) dst(%arg6 : memref<1600xi32, #tpu.memory_space<vmem>>)
    %dma_wait3A_276 = arith.constant 0 : i32
    %dma_wait3A_277 = tpu.memref_slice %arg4[%add3A_269, %dma_wait3A_276] : memref<819200x32xf32, #tpu.memory_space<hbm>> -> memref<1600x32xf32, #tpu.memory_space<hbm>>
    %dma_wait3A_278 = arith.constant 0 : i32
    %dma_wait3A_279 = tpu.memref_slice %arg4[%add3A_269, %dma_wait3A_278] : memref<819200x32xf32, #tpu.memory_space<hbm>> -> memref<1600x32xf32, #tpu.memory_space<hbm>>
    tpu.wait_dma2 semaphore(%arg14 : memref<!tpu.dma_semaphore, #tpu.memory_space<semaphore_mem>>) src(%arg8 : memref<1600x32xf32, #tpu.memory_space<vmem>>) dst(%dma_wait3A_279 : memref<1600x32xf32, #tpu.memory_space<hbm>>)
    %dma_start3A_280 = arith.constant 0 : i32
    %dma_start3A_281 = arith.constant 0 : i32
    %dma_start3A_282 = tpu.memref_slice %arg3[%dma_start3A_280, %dma_start3A_281] : memref<1000000x32xf32, #tpu.memory_space<hbm>> -> memref<1000000x32xf32, #tpu.memory_space<hbm>>
    tpu.enqueue_indirect_dma source(%dma_start3A_282 : memref<1000000x32xf32, #tpu.memory_space<hbm>>) target(%arg8 : memref<1600x32xf32, #tpu.memory_space<vmem>>) offsets(%arg6 : memref<1600xi32, #tpu.memory_space<vmem>>) semaphore(%arg12 : memref<!tpu.dma_semaphore, #tpu.memory_space<semaphore_mem>>)
    %dma_wait3A_283 = arith.constant 0 : i32
    %dma_wait3A_284 = arith.constant 0 : i32
    %dma_wait3A_285 = tpu.memref_slice %arg3[%dma_wait3A_283, %dma_wait3A_284] : memref<1000000x32xf32, #tpu.memory_space<hbm>> -> memref<1000000x32xf32, #tpu.memory_space<hbm>>
    tpu.wait_indirect_dma semaphore(%arg11 : memref<!tpu.dma_semaphore, #tpu.memory_space<semaphore_mem>>) src(%dma_wait3A_285 : memref<1000000x32xf32, #tpu.memory_space<hbm>>) dst(%arg7 : memref<1600x32xf32, #tpu.memory_space<vmem>>)
    %add3A_286 = arith.constant 22400 : i32
    %add3A_287 = arith.addi %mul3A_2, %add3A_286 : i32
    %dma_start3A_288 = tpu.memref_slice %arg2[%add3A_287] : memref<819200xi32, #tpu.memory_space<hbm>> -> memref<1600xi32, #tpu.memory_space<hbm>>
    %dma_start3A_289 = tpu.memref_slice %arg2[%add3A_287] : memref<819200xi32, #tpu.memory_space<hbm>> -> memref<1600xi32, #tpu.memory_space<hbm>>
    tpu.enqueue_dma source(%dma_start3A_289 : memref<1600xi32, #tpu.memory_space<hbm>>) target(%arg5 : memref<1600xi32, #tpu.memory_space<vmem>>) target_semaphore(%arg9 : memref<!tpu.dma_semaphore, #tpu.memory_space<semaphore_mem>>)
    %add3A_290 = arith.constant 19200 : i32
    %add3A_291 = arith.addi %mul3A_2, %add3A_290 : i32
    %dma_start3A_292 = arith.constant 0 : i32
    %dma_start3A_293 = tpu.memref_slice %arg4[%add3A_291, %dma_start3A_292] : memref<819200x32xf32, #tpu.memory_space<hbm>> -> memref<1600x32xf32, #tpu.memory_space<hbm>>
    %dma_start3A_294 = arith.constant 0 : i32
    %dma_start3A_295 = tpu.memref_slice %arg4[%add3A_291, %dma_start3A_294] : memref<819200x32xf32, #tpu.memory_space<hbm>> -> memref<1600x32xf32, #tpu.memory_space<hbm>>
    tpu.enqueue_dma source(%arg7 : memref<1600x32xf32, #tpu.memory_space<vmem>>) target(%dma_start3A_295 : memref<1600x32xf32, #tpu.memory_space<hbm>>) target_semaphore(%arg13 : memref<!tpu.dma_semaphore, #tpu.memory_space<semaphore_mem>>)
    %dma_wait3A_296 = tpu.memref_slice %arg2[%add3A_287] : memref<819200xi32, #tpu.memory_space<hbm>> -> memref<1600xi32, #tpu.memory_space<hbm>>
    %dma_wait3A_297 = tpu.memref_slice %arg2[%add3A_287] : memref<819200xi32, #tpu.memory_space<hbm>> -> memref<1600xi32, #tpu.memory_space<hbm>>
    tpu.wait_dma2 semaphore(%arg9 : memref<!tpu.dma_semaphore, #tpu.memory_space<semaphore_mem>>) src(%dma_wait3A_297 : memref<1600xi32, #tpu.memory_space<hbm>>) dst(%arg5 : memref<1600xi32, #tpu.memory_space<vmem>>)
    %dma_wait3A_298 = arith.constant 0 : i32
    %dma_wait3A_299 = tpu.memref_slice %arg4[%add3A_291, %dma_wait3A_298] : memref<819200x32xf32, #tpu.memory_space<hbm>> -> memref<1600x32xf32, #tpu.memory_space<hbm>>
    %dma_wait3A_300 = arith.constant 0 : i32
    %dma_wait3A_301 = tpu.memref_slice %arg4[%add3A_291, %dma_wait3A_300] : memref<819200x32xf32, #tpu.memory_space<hbm>> -> memref<1600x32xf32, #tpu.memory_space<hbm>>
    tpu.wait_dma2 semaphore(%arg13 : memref<!tpu.dma_semaphore, #tpu.memory_space<semaphore_mem>>) src(%arg7 : memref<1600x32xf32, #tpu.memory_space<vmem>>) dst(%dma_wait3A_301 : memref<1600x32xf32, #tpu.memory_space<hbm>>)
    %dma_start3A_302 = arith.constant 0 : i32
    %dma_start3A_303 = arith.constant 0 : i32
    %dma_start3A_304 = tpu.memref_slice %arg3[%dma_start3A_302, %dma_start3A_303] : memref<1000000x32xf32, #tpu.memory_space<hbm>> -> memref<1000000x32xf32, #tpu.memory_space<hbm>>
    tpu.enqueue_indirect_dma source(%dma_start3A_304 : memref<1000000x32xf32, #tpu.memory_space<hbm>>) target(%arg7 : memref<1600x32xf32, #tpu.memory_space<vmem>>) offsets(%arg5 : memref<1600xi32, #tpu.memory_space<vmem>>) semaphore(%arg11 : memref<!tpu.dma_semaphore, #tpu.memory_space<semaphore_mem>>)
    %dma_wait3A_305 = arith.constant 0 : i32
    %dma_wait3A_306 = arith.constant 0 : i32
    %dma_wait3A_307 = tpu.memref_slice %arg3[%dma_wait3A_305, %dma_wait3A_306] : memref<1000000x32xf32, #tpu.memory_space<hbm>> -> memref<1000000x32xf32, #tpu.memory_space<hbm>>
    tpu.wait_indirect_dma semaphore(%arg12 : memref<!tpu.dma_semaphore, #tpu.memory_space<semaphore_mem>>) src(%dma_wait3A_307 : memref<1000000x32xf32, #tpu.memory_space<hbm>>) dst(%arg8 : memref<1600x32xf32, #tpu.memory_space<vmem>>)
    %add3A_308 = arith.constant 24000 : i32
    %add3A_309 = arith.addi %mul3A_2, %add3A_308 : i32
    %dma_start3A_310 = tpu.memref_slice %arg2[%add3A_309] : memref<819200xi32, #tpu.memory_space<hbm>> -> memref<1600xi32, #tpu.memory_space<hbm>>
    %dma_start3A_311 = tpu.memref_slice %arg2[%add3A_309] : memref<819200xi32, #tpu.memory_space<hbm>> -> memref<1600xi32, #tpu.memory_space<hbm>>
    tpu.enqueue_dma source(%dma_start3A_311 : memref<1600xi32, #tpu.memory_space<hbm>>) target(%arg6 : memref<1600xi32, #tpu.memory_space<vmem>>) target_semaphore(%arg10 : memref<!tpu.dma_semaphore, #tpu.memory_space<semaphore_mem>>)
    %add3A_312 = arith.constant 20800 : i32
    %add3A_313 = arith.addi %mul3A_2, %add3A_312 : i32
    %dma_start3A_314 = arith.constant 0 : i32
    %dma_start3A_315 = tpu.memref_slice %arg4[%add3A_313, %dma_start3A_314] : memref<819200x32xf32, #tpu.memory_space<hbm>> -> memref<1600x32xf32, #tpu.memory_space<hbm>>
    %dma_start3A_316 = arith.constant 0 : i32
    %dma_start3A_317 = tpu.memref_slice %arg4[%add3A_313, %dma_start3A_316] : memref<819200x32xf32, #tpu.memory_space<hbm>> -> memref<1600x32xf32, #tpu.memory_space<hbm>>
    tpu.enqueue_dma source(%arg8 : memref<1600x32xf32, #tpu.memory_space<vmem>>) target(%dma_start3A_317 : memref<1600x32xf32, #tpu.memory_space<hbm>>) target_semaphore(%arg14 : memref<!tpu.dma_semaphore, #tpu.memory_space<semaphore_mem>>)
    %dma_wait3A_318 = tpu.memref_slice %arg2[%add3A_309] : memref<819200xi32, #tpu.memory_space<hbm>> -> memref<1600xi32, #tpu.memory_space<hbm>>
    %dma_wait3A_319 = tpu.memref_slice %arg2[%add3A_309] : memref<819200xi32, #tpu.memory_space<hbm>> -> memref<1600xi32, #tpu.memory_space<hbm>>
    tpu.wait_dma2 semaphore(%arg10 : memref<!tpu.dma_semaphore, #tpu.memory_space<semaphore_mem>>) src(%dma_wait3A_319 : memref<1600xi32, #tpu.memory_space<hbm>>) dst(%arg6 : memref<1600xi32, #tpu.memory_space<vmem>>)
    %dma_wait3A_320 = arith.constant 0 : i32
    %dma_wait3A_321 = tpu.memref_slice %arg4[%add3A_313, %dma_wait3A_320] : memref<819200x32xf32, #tpu.memory_space<hbm>> -> memref<1600x32xf32, #tpu.memory_space<hbm>>
    %dma_wait3A_322 = arith.constant 0 : i32
    %dma_wait3A_323 = tpu.memref_slice %arg4[%add3A_313, %dma_wait3A_322] : memref<819200x32xf32, #tpu.memory_space<hbm>> -> memref<1600x32xf32, #tpu.memory_space<hbm>>
    tpu.wait_dma2 semaphore(%arg14 : memref<!tpu.dma_semaphore, #tpu.memory_space<semaphore_mem>>) src(%arg8 : memref<1600x32xf32, #tpu.memory_space<vmem>>) dst(%dma_wait3A_323 : memref<1600x32xf32, #tpu.memory_space<hbm>>)
    %dma_start3A_324 = arith.constant 0 : i32
    %dma_start3A_325 = arith.constant 0 : i32
    %dma_start3A_326 = tpu.memref_slice %arg3[%dma_start3A_324, %dma_start3A_325] : memref<1000000x32xf32, #tpu.memory_space<hbm>> -> memref<1000000x32xf32, #tpu.memory_space<hbm>>
    tpu.enqueue_indirect_dma source(%dma_start3A_326 : memref<1000000x32xf32, #tpu.memory_space<hbm>>) target(%arg8 : memref<1600x32xf32, #tpu.memory_space<vmem>>) offsets(%arg6 : memref<1600xi32, #tpu.memory_space<vmem>>) semaphore(%arg12 : memref<!tpu.dma_semaphore, #tpu.memory_space<semaphore_mem>>)
    %dma_wait3A_327 = arith.constant 0 : i32
    %dma_wait3A_328 = arith.constant 0 : i32
    %dma_wait3A_329 = tpu.memref_slice %arg3[%dma_wait3A_327, %dma_wait3A_328] : memref<1000000x32xf32, #tpu.memory_space<hbm>> -> memref<1000000x32xf32, #tpu.memory_space<hbm>>
    tpu.wait_indirect_dma semaphore(%arg11 : memref<!tpu.dma_semaphore, #tpu.memory_space<semaphore_mem>>) src(%dma_wait3A_329 : memref<1000000x32xf32, #tpu.memory_space<hbm>>) dst(%arg7 : memref<1600x32xf32, #tpu.memory_space<vmem>>)
    %add3A_330 = arith.constant 22400 : i32
    %add3A_331 = arith.addi %mul3A_2, %add3A_330 : i32
    %dma_start3A_332 = arith.constant 0 : i32
    %dma_start3A_333 = tpu.memref_slice %arg4[%add3A_331, %dma_start3A_332] : memref<819200x32xf32, #tpu.memory_space<hbm>> -> memref<1600x32xf32, #tpu.memory_space<hbm>>
    %dma_start3A_334 = arith.constant 0 : i32
    %dma_start3A_335 = tpu.memref_slice %arg4[%add3A_331, %dma_start3A_334] : memref<819200x32xf32, #tpu.memory_space<hbm>> -> memref<1600x32xf32, #tpu.memory_space<hbm>>
    tpu.enqueue_dma source(%arg7 : memref<1600x32xf32, #tpu.memory_space<vmem>>) target(%dma_start3A_335 : memref<1600x32xf32, #tpu.memory_space<hbm>>) target_semaphore(%arg13 : memref<!tpu.dma_semaphore, #tpu.memory_space<semaphore_mem>>)
    %dma_wait3A_336 = arith.constant 0 : i32
    %dma_wait3A_337 = arith.constant 0 : i32
    %dma_wait3A_338 = tpu.memref_slice %arg3[%dma_wait3A_336, %dma_wait3A_337] : memref<1000000x32xf32, #tpu.memory_space<hbm>> -> memref<1000000x32xf32, #tpu.memory_space<hbm>>
    tpu.wait_indirect_dma semaphore(%arg12 : memref<!tpu.dma_semaphore, #tpu.memory_space<semaphore_mem>>) src(%dma_wait3A_338 : memref<1000000x32xf32, #tpu.memory_space<hbm>>) dst(%arg8 : memref<1600x32xf32, #tpu.memory_space<vmem>>)
    %add3A_339 = arith.constant 24000 : i32
    %add3A_340 = arith.addi %mul3A_2, %add3A_339 : i32
    %dma_start3A_341 = arith.constant 0 : i32
    %dma_start3A_342 = tpu.memref_slice %arg4[%add3A_340, %dma_start3A_341] : memref<819200x32xf32, #tpu.memory_space<hbm>> -> memref<1600x32xf32, #tpu.memory_space<hbm>>
    %dma_start3A_343 = arith.constant 0 : i32
    %dma_start3A_344 = tpu.memref_slice %arg4[%add3A_340, %dma_start3A_343] : memref<819200x32xf32, #tpu.memory_space<hbm>> -> memref<1600x32xf32, #tpu.memory_space<hbm>>
    tpu.enqueue_dma source(%arg8 : memref<1600x32xf32, #tpu.memory_space<vmem>>) target(%dma_start3A_344 : memref<1600x32xf32, #tpu.memory_space<hbm>>) target_semaphore(%arg14 : memref<!tpu.dma_semaphore, #tpu.memory_space<semaphore_mem>>)
    %dma_wait3A_345 = arith.constant 0 : i32
    %dma_wait3A_346 = tpu.memref_slice %arg4[%add3A_331, %dma_wait3A_345] : memref<819200x32xf32, #tpu.memory_space<hbm>> -> memref<1600x32xf32, #tpu.memory_space<hbm>>
    %dma_wait3A_347 = arith.constant 0 : i32
    %dma_wait3A_348 = tpu.memref_slice %arg4[%add3A_331, %dma_wait3A_347] : memref<819200x32xf32, #tpu.memory_space<hbm>> -> memref<1600x32xf32, #tpu.memory_space<hbm>>
    tpu.wait_dma2 semaphore(%arg13 : memref<!tpu.dma_semaphore, #tpu.memory_space<semaphore_mem>>) src(%arg7 : memref<1600x32xf32, #tpu.memory_space<vmem>>) dst(%dma_wait3A_348 : memref<1600x32xf32, #tpu.memory_space<hbm>>)
    %dma_wait3A_349 = arith.constant 0 : i32
    %dma_wait3A_350 = tpu.memref_slice %arg4[%add3A_340, %dma_wait3A_349] : memref<819200x32xf32, #tpu.memory_space<hbm>> -> memref<1600x32xf32, #tpu.memory_space<hbm>>
    %dma_wait3A_351 = arith.constant 0 : i32
    %dma_wait3A_352 = tpu.memref_slice %arg4[%add3A_340, %dma_wait3A_351] : memref<819200x32xf32, #tpu.memory_space<hbm>> -> memref<1600x32xf32, #tpu.memory_space<hbm>>
    tpu.wait_dma2 semaphore(%arg14 : memref<!tpu.dma_semaphore, #tpu.memory_space<semaphore_mem>>) src(%arg8 : memref<1600x32xf32, #tpu.memory_space<vmem>>) dst(%dma_wait3A_352 : memref<1600x32xf32, #tpu.memory_space<hbm>>)
    return
  }
}

</mosaic_0001>

<sc_bundles>
// kernel: kernel.3.cloned.1.call-start
scs
__scs_entry_jumppad:
0x0: {  	(pc) =	sbr.rel $0x88, $3  }
0x1: {  	(tag) =	ssettag $0x0;
	lr =	simm.s32 $0x1  }
0x2: {  	[smem:$0x3F9F] =	sst lr;
	_ =	strace $0xD0000000  }
0x3: {  	_ = 	snop  }
0x4: {  	_ = 	snop  }
0x5: {  	_ = 	snop  }
0x6: {  	_ = 	snop  }
0x7: {  	_ = 	snop  }
__scs_overlays_trampoline_lowered:
0x8: {  	[smem:$0x3FAE] =	sst s0  }
0x9: {  	[smem:$0x3FAF] =	sst s1  }
0xa: {  	[smem:$0x3FB0] =	sst s2  }
0xb: {  	[smem:$0x3FB1] =	sst s3  }
0xc: {  	[smem:$0x3FB2] =	sst s4  }
0xd: {  	[smem:$0x3FB3] =	sst s5  }
0xe: {  	[smem:$0x3FB4] =	sst s6  }
0xf: {  	[smem:$0x3FB5] =	sst s7  }
0x10: {  	[smem:$0x3FB6] =	sst s8  }
0x11: {  	[smem:$0x3FB7] =	sst s9;
	s0 =	simm.s32 @!p0 $0x0  }
0x12: {  	s1 =	sld [smem:$0x3F9D];
	s0 =	simm.s32 @p0 $0x1  }
0x13: {  	[smem:$0x3FB8] =	sst s0;
	s0 =	simm.s32 @!p1 $0x0  }
0x14: {  	s2 =	sld [smem:$0x3F9C];
	s0 =	simm.s32 @p1 $0x1  }
0x15: {  	[smem:$0x3FB9] =	sst s0;
	s0 =	simm.s32 @!p2 $0x0  }
0x16: {  	s3 =	sld [smem:$0x3FDB];
	s0 =	simm.s32 @p2 $0x1  }
0x17: {  	s4 =	simm.s32 $0x1BF5;
	[smem:$0x3FBB] =	sst s0  }
0x18: {  	s0 =	sld [smem:$0x3F9E];
	_ =	swait.ge [sflag:s4], $0x0  }
0x19: {  	s7 =	sld [smem:$0x3F9F]  }
0x1a: {  	s8 =	sadd.s32 $0xFFFFE003, lr  }
0x1b: {  	s9 =	sadd.s32 $0xFFFFFEF7, lr;
	s5 =	simm.s32 $0xFFFFFFFF;
	p2 =	slt.u32 s8, $0xFFFFF086  }
0x1c: {  	p1 =	slt.u32 s9, $0xF7A;
	s5 =	simm.s32 @!p2 $0x0  }
0x1d: {  	s5 =	simm.s32 @p1 $0x1;
	p0 =	seq.s32 s7, s2  }
0x1e: {  	s7 =	smul.u32 @!p0 $0xF7A, s2;
	p2 =	seq.s32 @!p0 s5, $0x0  }
0x1f: {  	s9 =	smul.u32 $0xF7A, s1;
	s8 =	simm.s32 @!p0 $0x1BF5;
	p2 =	por !p2, p0  }
0x20: {  	[sflag:s8] =	ssyncset.s32 @!p0 $0xFFFFF086;
	s6 =	sadd.s32 @!p0 s3, s7;
	s7 =	simm.s32 @!p0 $0x108  }
0x21: {  	s3 =	sadd.s32 s3, s9;
	s6 =	sadd.s32 @!p0 $0x88, s6;
	s7 =	simm.s32 @p2 $0x1082  }
0x22: {  	[simem:s7], [sflag:s8] =	dma.local @!p0 [hbm:s6], $0xF7A  }
0x23: {  	s9 =	sor.u32 $0xD0000000, s2;
	s6 =	simm.s32 $0x108;
	_ =	swait.ge @!p0 [sflag:s8], $0x0  }
0x24: {  	s3 =	sadd.s32 $0x88, s3;
	s6 =	simm.s32 @!p1 $0x1082;
	[sflag:s4] =	ssyncset.s32 $0xFFFFF086  }
0x25: {  	[simem:s6], [sflag:s4] =	dma.local [hbm:s3], $0xF7A  }
0x26: {  	[smem:$0x3F9F] =	sst s1;
	(tag) =	ssettag s2;
	_ =	strace s9  }
0x27: {  	s1 =	sld [smem:$0x3FAF]  }
0x28: {  	s2 =	sld [smem:$0x3FB0]  }
0x29: {  	s4 =	sld [smem:$0x3FB2]  }
0x2a: {  	p0 =	seq.s32 s5, $0x0;
	s5 =	sld [smem:$0x3FB3]  }
0x2b: {  	s6 =	sld [smem:$0x3FB4]  }
0x2c: {  	s7 =	sld [smem:$0x3FB5]  }
0x2d: {  	s3 =	simm.s32 $0x108;
	s8 =	sld [smem:$0x3FB6]  }
0x2e: {  	s3 =	simm.s32 @!p0 $0x1082;
	s9 =	sld [smem:$0x3FB7]  }
0x2f: {  	lr =	sadd.s32 s0, s3;
	s0 =	sld [smem:$0x3FAE]  }
0x30: {  	s3 =	sld [smem:$0x3FB1]  }
0x31: {  	[smem:$0x3FBA] =	sst s10  }
0x32: {  	s10 =	sld [smem:$0x3FB8];
	_ =	sdelay $0x3  }
0x33: {  	p0 =	seq.s32 s10, $0x1;
	s10 =	sld [smem:$0x3FBA];
	_ =	sdelay $0x3  }
0x34: {  	[smem:$0x3FBA] =	sst s10  }
0x35: {  	s10 =	sld [smem:$0x3FB9];
	_ =	sdelay $0x3  }
0x36: {  	p1 =	seq.s32 s10, $0x1;
	s10 =	sld [smem:$0x3FBA];
	_ =	sdelay $0x3  }
0x37: {  	[smem:$0x3FBA] =	sst s10  }
0x38: {  	s10 =	sld [smem:$0x3FBB]  }
0x39: {  	_ = 	snop;
	(pc) =	sbr.ind lr, $3  }
0x3a: {  	_ = 	snop  }
0x3b: {  	_ = 	snop  }
0x3c: {  	p2 =	seq.s32 s10, $0x1;
	s10 =	sld [smem:$0x3FBA]  }
0x3d: {  	_ =	shalt  }
0x3e: {  	_ =	shalt  }
0x3f: {  	_ =	shalt  }
0x40: {  	_ =	shalt  }
0x41: {  	_ =	shalt  }
0x42: {  	_ =	shalt  }
0x43: {  	_ =	shalt  }
0x44: {  	_ =	shalt  }
0x45: {  	_ =	shalt  }
0x46: {  	_ =	shalt  }
0x47: {  	_ =	shalt  }
0x48: {  	_ =	shalt  }
0x49: {  	_ =	shalt  }
0x4a: {  	_ =	shalt  }
0x4b: {  	_ =	shalt  }
0x4c: {  	_ =	shalt  }
0x4d: {  	_ =	shalt  }
0x4e: {  	_ =	shalt  }
0x4f: {  	_ =	shalt  }
0x50: {  	_ =	shalt  }
0x51: {  	_ =	shalt  }
0x52: {  	_ =	shalt  }
0x53: {  	_ =	shalt  }
0x54: {  	_ =	shalt  }
0x55: {  	_ =	shalt  }
0x56: {  	_ =	shalt  }
0x57: {  	_ =	shalt  }
0x58: {  	_ =	shalt  }
0x59: {  	_ =	shalt  }
0x5a: {  	_ =	shalt  }
0x5b: {  	_ =	shalt  }
0x5c: {  	_ =	shalt  }
0x5d: {  	_ =	shalt  }
0x5e: {  	_ =	shalt  }
0x5f: {  	_ =	shalt  }
0x60: {  	_ =	shalt  }
0x61: {  	_ =	shalt  }
0x62: {  	_ =	shalt  }
0x63: {  	_ =	shalt  }
0x64: {  	_ =	shalt  }
0x65: {  	_ =	shalt  }
0x66: {  	_ =	shalt  }
0x67: {  	_ =	shalt  }
0x68: {  	_ =	shalt  }
0x69: {  	_ =	shalt  }
0x6a: {  	_ =	shalt  }
0x6b: {  	_ =	shalt  }
0x6c: {  	_ =	shalt  }
0x6d: {  	_ =	shalt  }
0x6e: {  	_ =	shalt  }
0x6f: {  	_ =	shalt  }
0x70: {  	_ =	shalt  }
0x71: {  	_ =	shalt  }
0x72: {  	_ =	shalt  }
0x73: {  	_ =	shalt  }
0x74: {  	_ =	shalt  }
0x75: {  	_ =	shalt  }
0x76: {  	_ =	shalt  }
0x77: {  	_ =	shalt  }
0x78: {  	_ =	shalt  }
0x79: {  	_ =	shalt  }
0x7a: {  	_ =	shalt  }
0x7b: {  	_ =	shalt  }
0x7c: {  	_ =	shalt  }
0x7d: {  	_ =	shalt  }
0x7e: {  	_ =	shalt  }
0x7f: {  	_ =	shalt  }
0x80: {  	_ =	shalt  }
0x81: {  	_ =	shalt  }
0x82: {  	_ =	shalt  }
0x83: {  	_ =	shalt  }
0x84: {  	_ =	shalt  }
0x85: {  	_ =	shalt  }
0x86: {  	_ =	shalt  }
0x87: {  	_ =	shalt  }
.Lfunc_end0:
.L_simem_size_0:
called_computation.1_lowered:
.L_overlay_start_0:
0x88: {  	s2 =	sld [smem:$0x3FD9]  }
0x89: {  	s3 =	sld [smem:$0x3FFE];
	_ =	sdelay $0x1  }
0x8a: {  	s1 =	srdreg.scid  }
0x8b: {  	s0 =	sand.u32 $0x1, s1  }
0x8c: {  	s17 =	sshll.u32 s0, $0xA;
	s2 =	sadd.s32 s3, s2  }
0x8d: {  	s2 =	sadd.s32 s2, s17  }
0x8e: {  	[smem:$0x3FC6] =	sst s2  }
0x8f: {  	_ = 	snop  }
0x90: {  	s2 =	sld [smem:$0x3FD0];
	(tm) =	ssettm $0x1  }
0x91: {  	s18 =	sld [smem:$0x3FFB];
	_ =	sdelay $0x3  }
0x92: {  	_ =	strace s18  }
0x93: {  	s3 =	sld [smem:$0x3FFC];
	_ =	sdelay $0x3  }
0x94: {  	_ =	strace s3  }
0x95: {  	s3 =	sld [smem:$0x3FFD];
	_ =	sdelay $0x3  }
0x96: {  	_ =	strace s3  }
0x97: {  	_ =	strace $0x8FFFFFFF  }
0x98: {  	s19 =	sld [smem:$0x3FDB];
	_ =	sdelay $0x1  }
0x99: {  	s4 =	simm.s32 $_scs_section_size  }
0x9a: {  	s5 =	simm.s32 $_size__tile_overlayer_lowered;
	s6 =	simm.s32 $_tile_overlayer_lowered  }
0x9b: {  	s22 =	simm.s32 $0x1BFF;
	s21 =	sshll.u32 s6, $0x1;
	s3 =	sadd.s32 s4, s19  }
0x9c: {  	s7 =	simm.s32 $0x0;
	s20 =	sshll.u32 s5, $0x1;
	s5 =	sadd.s32 s21, s3  }
0x9d: {  	[timem:s7], [sflag:s22] =	dma.local [hbm:s5], s20  }
0x9e: {  	_ =	swait.ge [sflag:s22], s20  }
0x9f: {  	s4 =	ssub.s32 $0x0, s20;
	[sflag:s22] =	ssyncset.done $0x0  }
0xa0: {  	[sflag:s22] =	ssyncadd.s32 s4;
	_ =	sdelay $0x1  }
0xa1: {  	s23 =	simm.s32 $0x1B8B  }
0xa2: {  	_ =	swait.ge [sflag:s23], $0x1  }
0xa3: {  	[sflag:s23] =	ssyncset.done $0x0  }
0xa4: {  	s25 =	simm.s32 $0x1B8E;
	s24 =	sld [smem:$0x3FFE];
	[sflag:s23] =	ssyncadd.s32 $0xFFFFFFFF  }
0xa5: {  	s26 =	simm.s32 $execute0_lowered;
	[smem:$0x3FD2] =	sst s25  }
0xa6: {  	s5 =	sshll.u32 s26, $0x1;
	_ =	strace $0x80000046;
	[dreg:$0x1] =	wrdreg $0xFFFFFFFF  }
0xa7: {  	s28 =	simm.s32 $_size_execute0_lowered;
	s3 =	sadd.s32 s3, s5;
	[dreg:$0x0] =	wrdreg $0x0  }
0xa8: {  	s5 =	sshll.u32 s28, $0x1;
	[dreg:$0x2] =	wrdreg s3  }
0xa9: {  	[dreg:$0x3] =	wrdreg s5  }
0xaa: {  	[dreg:$0x4] =	wrdreg $0xC0  }
0xab: {  	_ =	task [dreg:s7], $0x5FFFF  }
0xac: {  	[dreg:$0x1] =	wrdreg $0xFFFFFFFF  }
0xad: {  	[dreg:$0x0] =	wrdreg $0x60  }
0xae: {  	[dreg:$0x2] =	wrdreg s24  }
0xaf: {  	[dreg:$0x3] =	wrdreg s2  }
0xb0: {  	[dreg:$0x4] =	wrdreg $0x9  }
0xb1: {  	_ =	task.clear_ibuf [dreg:s7], $0x5FFFF;
	_ =	strace $0x90000046  }
0xb2: {  	s29 =	simm.s32 $0x9;
	_ =	strace $0x80000048  }
0xb3: {  	_ =	swait.ge [sflag:s29], $0x1  }
0xb4: {  	[sflag:s29] =	ssyncadd.s32 $0xFFFFFFFF  }
0xb5: {  	_ =	strace $0x90000048  }
0xb6: {  	_ =	sfence  }
0xb7: {  	s30 =	sld [smem:$0x0];
	_ =	sdelay $0x2  }
0xb8: {  	s31 =	sshll.u32 s1, $0xD;
	s1 =	sshrl.u32 s1, $0x2  }
0xb9: {  	s3 =	sand.u32 $0x4000, s31;
	s1 =	sadd.s32 s1, s30  }
0xba: {  	s0 =	sor.u32 s3, s0;
	s1 =	sshll.u32 s1, $0x11  }
0xbb: {  	s0 =	sor.u32 s1, s0  }
0xbc: {  	s0 =	sadd.s32 $0x8F2B, s0  }
0xbd: {  	[sflag:s0] =	ssyncadd.remote.s32 $0x1  }
0xbe: {  	_ =	sfence.sel $0xFFFF  }
0xbf: {  	[dreg:$0x0] =	wrdreg $0xFFFFFFFF;
	(pc) =	sbr.abs _section_cstart, $3  }
0xc0: {  	[dreg:$0x1] =	wrdreg $0xFFFFFFFF  }
0xc1: {  	_ =	task.clear_ibuf [dreg:s7], $0x2FFFF;
	_ =	strace $0x9FFFFFFF  }
0xc2: {  	(tm) =	ssettm $0x7FFFFFFF  }
0xc3: {  	_ =	shalt  }
tec
execute0_lowered:
.L_overlay_start_1:
0x0: {  	(tag) =	ssettag $0x1  }
0x1: {  	s0 =	srdreg.scid  }
0x2: {  	s1 =	stileid.u32;
	s3 =	rddreg [dreg:$0x0];
	s2 =	simm.s32 $0x0  }
0x3: {  	p0 =	por $0x0, $0x0;
	s0 =	sand.u32 $0x1, s0;
	s1 =	sshll.u32 s1, $0x1  }
0x4: {  	s31 =	simm.s32 $0x6;
	[smem:$0x7FF] =	sst s2;
	s6 =	sor.u32 s0, s1  }
0x5: {  	s4 =	sadd.s32 $0xA00, s3;
	s3 =	sadd.s32 $0xF42E00, s3;
	s5 =	smul.u32 $0x6400, s6  }
0x6: {  	s1 =	rddreg [dreg:$0x1];
	_ =	strace $0x80000047;
	s6 =	smul.u32 $0x19000, s6  }
0x7: {  	s0 =	ssub.s32 $0x2, s0;
	s7 =	sshrl.u32 s5, $0x3;
	s8 =	sadd.s32 $0x640, s5  }
0x8: {  	s9 =	sadd.s32 $0xC80, s5;
	s26 =	sadd.s32 $0x12C0, s5;
	s6 =	sadd.s32 s1, s6  }
0x9: {  	s15 =	sadd.s32 $0x1900, s5;
	s18 =	sadd.s32 $0x1F40, s5;
	s7 =	sadd.s32 s4, s7  }
0xa: {  	s24 =	sshrl.u32 s8, $0x3;
	s10 =	sshrl.u32 s9, $0x3;
	s11 =	sshrl.u32 s26, $0x3  }
0xb: {  	[dreg:$0x6] =	wrdreg s6;
	s13 =	sshll.u32 s8, $0x2;
	s16 =	sshrl.u32 s15, $0x3  }
0xc: {  	s17 =	sshll.u32 s9, $0x2;
	[dreg:$0x3] =	wrdreg s7;
	s7 =	sadd.s32 s4, s24  }
0xd: {  	s20 =	sshrl.u32 s18, $0x3;
	s25 =	sadd.s32 s4, s10;
	[dreg:$0x4] =	wrdreg s7  }
0xe: {  	s22 =	sshll.u32 s26, $0x2;
	s12 =	sadd.s32 s4, s11;
	[dreg:$0x5] =	wrdreg s25  }
0xf: {  	s26 =	sadd.s32 $0x2BC0, s5;
	s14 =	sadd.s32 s1, s13;
	[dreg:$0x7] =	wrdreg s12  }
0x10: {  	s6 =	sadd.s32 s4, s16;
	s19 =	sadd.s32 s1, s17;
	[dreg:$0x8] =	wrdreg s14  }
0x11: {  	s21 =	sadd.s32 s4, s20;
	s23 =	sadd.s32 s1, s22;
	[dreg:$0x9] =	wrdreg s6  }
0x12: {  	s24 =	sadd.s32 $0x2580, s5;
	s13 =	sshrl.u32 s26, $0x3;
	[dreg:$0xa] =	wrdreg s19  }
0x13: {  	s16 =	sshrl.u32 s0, $0x1;
	s11 =	sadd.s32 $0x3200, s5;
	[dreg:$0xb] =	wrdreg s21  }
0x14: {  	s22 =	sadd.s32 $0x3E80, s5;
	[dreg:$0xc] =	wrdreg s23;
	s25 =	sshrl.u32 s24, $0x3  }
0x15: {  	s7 =	sshll.u32 s15, $0x2;
	s14 =	sadd.s32 s4, s13;
	s15 =	sshll.u32 s18, $0x2  }
0x16: {  	s0 =	ssub.s32 s0, s16;
	s18 =	sshrl.u32 s11, $0x3;
	s8 =	sshll.u32 s24, $0x2  }
0x17: {  	s19 =	sadd.s32 $0x3840, s5;
	s21 =	sshll.u32 s26, $0x2;
	s10 =	sshrl.u32 s22, $0x3  }
0x18: {  	s11 =	sshll.u32 s11, $0x2;
	s16 =	sshll.u32 s22, $0x2;
	s6 =	sadd.s32 s4, s25  }
0x19: {  	s12 =	sadd.s32 s1, s7;
	[dreg:$0xf] =	wrdreg s14;
	s17 =	sadd.s32 s1, s15  }
0x1a: {  	s30 =	sadd.s32 s4, s18;
	s20 =	sshrl.u32 s19, $0x3;
	s29 =	sadd.s32 s1, s21  }
0x1b: {  	s25 =	sadd.s32 s4, s10;
	s26 =	sadd.s32 s1, s11;
	s9 =	sshll.u32 s19, $0x2  }
0x1c: {  	s14 =	sadd.s32 $0x4B00, s5;
	s22 =	sadd.s32 s1, s16;
	[dreg:$0xd] =	wrdreg s6  }
0x1d: {  	s0 =	smax.u32 s0, $0x1;
	s11 =	simm.s32 $0x640;
	[dreg:$0xe] =	wrdreg s12  }
0x1e: {  	s7 =	simm.s32 $0xC80;
	[dreg:$0x10] =	wrdreg s17;
	s6 =	sadd.s32 s1, s8  }
0x1f: {  	s28 =	sadd.s32 s4, s20;
	s12 =	sadd.s32 $0x44C0, s5;
	s24 =	sadd.s32 s1, s9  }
0x20: {  	s15 =	sshrl.u32 s14, $0x3;
	s17 =	sadd.s32 $0x5140, s5;
	s20 =	sadd.s32 $0x5780, s5  }
0x21: {  	p1 =	sne.s32 s0, $0x1;
	s8 =	simm.s32 $0x5;
	s13 =	sshrl.u32 s12, $0x3  }
0x22: {  	s21 =	sadd.s32 s4, s15;
	s18 =	sshrl.u32 s17, $0x3;
	s19 =	sshll.u32 s12, $0x2  }
0x23: {  	s9 =	sshrl.u32 s20, $0x3;
	s12 =	sshll.u32 s14, $0x2;
	s14 =	sshll.u32 s17, $0x2  }
0x24: {  	s17 =	sshll.u32 s20, $0x2;
	s23 =	sadd.s32 s4, s13;
	s18 =	sadd.s32 s4, s18  }
0x25: {  	s19 =	sadd.s32 s1, s19;
	s13 =	sadd.s32 $0x5DC0, s5;
	s15 =	sadd.s32 s4, s9  }
.Ltmp0:
0x26: {  	s16 =	sadd.s32 s1, s12;
	s12 =	sadd.s32 s1, s14;
	(pc) =	sbr.rel @!p1 .LBB2_3-.Ltmp0, $4  }
0x27: {  	s10 =	sadd.s32 s1, s17;
	s17 =	simm.s32 $0x2;
	s9 =	simm.s32 $0xD480  }
0x28: {  	s14 =	simm.s32 $0x3;
	s5 =	sshrl.u32 s13, $0x3;
	s20 =	sshll.u32 s13, $0x2  }
0x29: {  	s13 =	simm.s32 $0x4;
	s5 =	sadd.s32 s4, s5;
	s4 =	sadd.s32 s1, s20  }
0x2a: {  	s20 =	simm.s32 $0x1;
	s1 =	sadd.s32 $0xFFFFFFFF, s0;
	s0 =	rddreg [dreg:$0x3]  }
0x2b: {  	[dreg:$0x12] =	wrdreg s1  }
0x2c: {  	[tilespmem:s2], [sflag:$0x1] =	stream.linear.gather [hbm4b:s0+s2], $0x640, $0x38;
	[tilespmem:$0x19C80] =	vst v63  }
0x2d: {  	s1 =	rddreg [dreg:$0x4]  }
0x2e: {  	[tilespmem:s11], [sflag:$0x2] =	stream.linear.gather [hbm4b:s1+s2], $0x640, $0x38;
	[tilespmem:$0x19C80] =	vst v63  }
0x2f: {  	_ =	swait.ge [sflag:s20], $0x640  }
0x30: {  	[sflag:s20] =	ssyncset.done $0x0  }
0x31: {  	[sflag:s20] =	ssyncadd.s32 $0xFFFFF9C0  }
0x32: {  	[tilespmem:s7], [sflag:$0x3] =	stream.indirect.gather [hbm4b:s3+s11], $0x20, s2, s11, $0xb8;
	[tilespmem:$0x19C80] =	vst v63  }
0x33: {  	_ =	swait.ge [sflag:s17], $0x640  }
0x34: {  	[sflag:s17] =	ssyncset.done $0x0  }
0x35: {  	[sflag:s17] =	ssyncadd.s32 $0xFFFFF9C0  }
0x36: {  	[tilespmem:s9], [sflag:$0x4] =	stream.indirect.gather [hbm4b:s3+s11], $0x20, s11, s11, $0xb8;
	[tilespmem:$0x19C80] =	vst v63  }
0x37: {  	_ =	swait.ge [sflag:s14], $0xC800  }
0x38: {  	[sflag:s14] =	ssyncset.done $0x0  }
0x39: {  	s0 =	rddreg [dreg:$0x5];
	[sflag:s14] =	ssyncadd.s32 $0xFFFF3800  }
0x3a: {  	[tilespmem:s2], [sflag:$0x1] =	stream.linear.gather [hbm4b:s0+s2], $0x640, $0x38;
	[tilespmem:$0x19C80] =	vst v63  }
0x3b: {  	s1 =	rddreg [dreg:$0x6]  }
0x3c: {  	[hbm4b:s1+s2] =	stream.linear.scatter [tilespmem:s7], [sflag:$0x5], $0xC800, $0x38;
	[tilespmem:$0x19C80] =	vst v63  }
0x3d: {  	_ =	swait.ge [sflag:s20], $0x640  }
0x3e: {  	[sflag:s20] =	ssyncset.done $0x0  }
0x3f: {  	[sflag:s20] =	ssyncadd.s32 $0xFFFFF9C0  }
0x40: {  	_ =	swait.ge [sflag:s8], $0xC800  }
0x41: {  	[sflag:s8] =	ssyncset.done $0x0  }
0x42: {  	[sflag:s8] =	ssyncadd.s32 $0xFFFF3800  }
0x43: {  	[tilespmem:s7], [sflag:$0x3] =	stream.indirect.gather [hbm4b:s3+s11], $0x20, s2, s11, $0xb8;
	[tilespmem:$0x19C80] =	vst v63  }
0x44: {  	_ =	swait.ge [sflag:s13], $0xC800  }
0x45: {  	[sflag:s13] =	ssyncset.done $0x0  }
0x46: {  	s0 =	rddreg [dreg:$0x7];
	[sflag:s13] =	ssyncadd.s32 $0xFFFF3800  }
0x47: {  	[tilespmem:s11], [sflag:$0x2] =	stream.linear.gather [hbm4b:s0+s2], $0x640, $0x38;
	[tilespmem:$0x19C80] =	vst v63  }
0x48: {  	s1 =	rddreg [dreg:$0x8]  }
0x49: {  	[hbm4b:s1+s2] =	stream.linear.scatter [tilespmem:s9], [sflag:$0x6], $0xC800, $0x38;
	[tilespmem:$0x19C80] =	vst v63  }
0x4a: {  	_ =	swait.ge [sflag:s17], $0x640  }
0x4b: {  	[sflag:s17] =	ssyncset.done $0x0  }
0x4c: {  	[sflag:s17] =	ssyncadd.s32 $0xFFFFF9C0  }
0x4d: {  	_ =	swait.ge [sflag:s31], $0xC800  }
0x4e: {  	[sflag:s31] =	ssyncset.done $0x0  }
0x4f: {  	[sflag:s31] =	ssyncadd.s32 $0xFFFF3800  }
0x50: {  	[tilespmem:s9], [sflag:$0x4] =	stream.indirect.gather [hbm4b:s3+s11], $0x20, s11, s11, $0xb8;
	[tilespmem:$0x19C80] =	vst v63  }
0x51: {  	_ =	swait.ge [sflag:s14], $0xC800  }
0x52: {  	[sflag:s14] =	ssyncset.done $0x0  }
0x53: {  	s0 =	rddreg [dreg:$0x9];
	[sflag:s14] =	ssyncadd.s32 $0xFFFF3800  }
0x54: {  	[tilespmem:s2], [sflag:$0x1] =	stream.linear.gather [hbm4b:s0+s2], $0x640, $0x38;
	[tilespmem:$0x19C80] =	vst v63  }
0x55: {  	s1 =	rddreg [dreg:$0xa]  }
0x56: {  	[hbm4b:s1+s2] =	stream.linear.scatter [tilespmem:s7], [sflag:$0x5], $0xC800, $0x38;
	[tilespmem:$0x19C80] =	vst v63  }
0x57: {  	_ =	swait.ge [sflag:s20], $0x640  }
0x58: {  	[sflag:s20] =	ssyncset.done $0x0  }
0x59: {  	[sflag:s20] =	ssyncadd.s32 $0xFFFFF9C0  }
0x5a: {  	_ =	swait.ge [sflag:s8], $0xC800  }
0x5b: {  	[sflag:s8] =	ssyncset.done $0x0  }
0x5c: {  	[sflag:s8] =	ssyncadd.s32 $0xFFFF3800  }
0x5d: {  	[tilespmem:s7], [sflag:$0x3] =	stream.indirect.gather [hbm4b:s3+s11], $0x20, s2, s11, $0xb8;
	[tilespmem:$0x19C80] =	vst v63  }
0x5e: {  	_ =	swait.ge [sflag:s13], $0xC800  }
0x5f: {  	[sflag:s13] =	ssyncset.done $0x0  }
0x60: {  	s0 =	rddreg [dreg:$0xb];
	[sflag:s13] =	ssyncadd.s32 $0xFFFF3800  }
0x61: {  	[tilespmem:s11], [sflag:$0x2] =	stream.linear.gather [hbm4b:s0+s2], $0x640, $0x38;
	[tilespmem:$0x19C80] =	vst v63  }
0x62: {  	s1 =	rddreg [dreg:$0xc]  }
0x63: {  	[hbm4b:s1+s2] =	stream.linear.scatter [tilespmem:s9], [sflag:$0x6], $0xC800, $0x38;
	[tilespmem:$0x19C80] =	vst v63  }
0x64: {  	_ =	swait.ge [sflag:s17], $0x640  }
0x65: {  	[sflag:s17] =	ssyncset.done $0x0  }
0x66: {  	[sflag:s17] =	ssyncadd.s32 $0xFFFFF9C0  }
0x67: {  	_ =	swait.ge [sflag:s31], $0xC800  }
0x68: {  	[sflag:s31] =	ssyncset.done $0x0  }
0x69: {  	[sflag:s31] =	ssyncadd.s32 $0xFFFF3800  }
0x6a: {  	[tilespmem:s9], [sflag:$0x4] =	stream.indirect.gather [hbm4b:s3+s11], $0x20, s11, s11, $0xb8;
	[tilespmem:$0x19C80] =	vst v63  }
0x6b: {  	_ =	swait.ge [sflag:s14], $0xC800  }
0x6c: {  	[sflag:s14] =	ssyncset.done $0x0  }
0x6d: {  	s0 =	rddreg [dreg:$0xd];
	[sflag:s14] =	ssyncadd.s32 $0xFFFF3800  }
0x6e: {  	[tilespmem:s2], [sflag:$0x1] =	stream.linear.gather [hbm4b:s0+s2], $0x640, $0x38;
	[tilespmem:$0x19C80] =	vst v63  }
0x6f: {  	s1 =	rddreg [dreg:$0xe]  }
0x70: {  	[hbm4b:s1+s2] =	stream.linear.scatter [tilespmem:s7], [sflag:$0x5], $0xC800, $0x38;
	[tilespmem:$0x19C80] =	vst v63  }
0x71: {  	_ =	swait.ge [sflag:s20], $0x640  }
0x72: {  	[sflag:s20] =	ssyncset.done $0x0  }
0x73: {  	[sflag:s20] =	ssyncadd.s32 $0xFFFFF9C0  }
0x74: {  	_ =	swait.ge [sflag:s8], $0xC800  }
0x75: {  	[sflag:s8] =	ssyncset.done $0x0  }
0x76: {  	[sflag:s8] =	ssyncadd.s32 $0xFFFF3800  }
0x77: {  	[tilespmem:s7], [sflag:$0x3] =	stream.indirect.gather [hbm4b:s3+s11], $0x20, s2, s11, $0xb8;
	[tilespmem:$0x19C80] =	vst v63  }
0x78: {  	_ =	swait.ge [sflag:s13], $0xC800  }
0x79: {  	[sflag:s13] =	ssyncset.done $0x0  }
0x7a: {  	s0 =	rddreg [dreg:$0xf];
	[sflag:s13] =	ssyncadd.s32 $0xFFFF3800  }
0x7b: {  	[tilespmem:s11], [sflag:$0x2] =	stream.linear.gather [hbm4b:s0+s2], $0x640, $0x38;
	[tilespmem:$0x19C80] =	vst v63  }
0x7c: {  	s1 =	rddreg [dreg:$0x10]  }
0x7d: {  	[hbm4b:s1+s2] =	stream.linear.scatter [tilespmem:s9], [sflag:$0x6], $0xC800, $0x38;
	[tilespmem:$0x19C80] =	vst v63  }
0x7e: {  	_ =	swait.ge [sflag:s17], $0x640  }
0x7f: {  	[sflag:s17] =	ssyncset.done $0x0  }
0x80: {  	[sflag:s17] =	ssyncadd.s32 $0xFFFFF9C0  }
0x81: {  	_ =	swait.ge [sflag:s31], $0xC800  }
0x82: {  	[sflag:s31] =	ssyncset.done $0x0  }
0x83: {  	[sflag:s31] =	ssyncadd.s32 $0xFFFF3800  }
0x84: {  	[tilespmem:s9], [sflag:$0x4] =	stream.indirect.gather [hbm4b:s3+s11], $0x20, s11, s11, $0xb8;
	[tilespmem:$0x19C80] =	vst v63  }
0x85: {  	_ =	swait.ge [sflag:s14], $0xC800  }
0x86: {  	[sflag:s14] =	ssyncset.done $0x0  }
0x87: {  	[sflag:s14] =	ssyncadd.s32 $0xFFFF3800  }
0x88: {  	[tilespmem:s2], [sflag:$0x1] =	stream.linear.gather [hbm4b:s30+s2], $0x640, $0x38;
	[tilespmem:$0x19C80] =	vst v63  }
0x89: {  	_ = 	snop  }
0x8a: {  	[hbm4b:s6+s2] =	stream.linear.scatter [tilespmem:s7], [sflag:$0x5], $0xC800, $0x38;
	[tilespmem:$0x19C80] =	vst v63  }
0x8b: {  	_ =	swait.ge [sflag:s20], $0x640  }
0x8c: {  	[sflag:s20] =	ssyncset.done $0x0  }
0x8d: {  	[sflag:s20] =	ssyncadd.s32 $0xFFFFF9C0  }
0x8e: {  	_ =	swait.ge [sflag:s8], $0xC800  }
0x8f: {  	[sflag:s8] =	ssyncset.done $0x0  }
0x90: {  	[sflag:s8] =	ssyncadd.s32 $0xFFFF3800  }
0x91: {  	[tilespmem:s7], [sflag:$0x3] =	stream.indirect.gather [hbm4b:s3+s11], $0x20, s2, s11, $0xb8;
	[tilespmem:$0x19C80] =	vst v63  }
0x92: {  	_ =	swait.ge [sflag:s13], $0xC800  }
0x93: {  	[sflag:s13] =	ssyncset.done $0x0  }
0x94: {  	[sflag:s13] =	ssyncadd.s32 $0xFFFF3800  }
0x95: {  	[tilespmem:s11], [sflag:$0x2] =	stream.linear.gather [hbm4b:s28+s2], $0x640, $0x38;
	[tilespmem:$0x19C80] =	vst v63  }
0x96: {  	_ = 	snop  }
0x97: {  	[hbm4b:s29+s2] =	stream.linear.scatter [tilespmem:s9], [sflag:$0x6], $0xC800, $0x38;
	[tilespmem:$0x19C80] =	vst v63  }
0x98: {  	_ =	swait.ge [sflag:s17], $0x640  }
0x99: {  	[sflag:s17] =	ssyncset.done $0x0  }
0x9a: {  	[sflag:s17] =	ssyncadd.s32 $0xFFFFF9C0  }
0x9b: {  	_ =	swait.ge [sflag:s31], $0xC800  }
0x9c: {  	[sflag:s31] =	ssyncset.done $0x0  }
0x9d: {  	[sflag:s31] =	ssyncadd.s32 $0xFFFF3800  }
0x9e: {  	[tilespmem:s9], [sflag:$0x4] =	stream.indirect.gather [hbm4b:s3+s11], $0x20, s11, s11, $0xb8;
	[tilespmem:$0x19C80] =	vst v63  }
0x9f: {  	_ =	swait.ge [sflag:s14], $0xC800  }
0xa0: {  	[sflag:s14] =	ssyncset.done $0x0  }
0xa1: {  	[sflag:s14] =	ssyncadd.s32 $0xFFFF3800  }
0xa2: {  	[tilespmem:s2], [sflag:$0x1] =	stream.linear.gather [hbm4b:s25+s2], $0x640, $0x38;
	[tilespmem:$0x19C80] =	vst v63  }
0xa3: {  	_ = 	snop  }
0xa4: {  	[hbm4b:s26+s2] =	stream.linear.scatter [tilespmem:s7], [sflag:$0x5], $0xC800, $0x38;
	[tilespmem:$0x19C80] =	vst v63  }
0xa5: {  	_ =	swait.ge [sflag:s20], $0x640  }
0xa6: {  	[sflag:s20] =	ssyncset.done $0x0  }
0xa7: {  	[sflag:s20] =	ssyncadd.s32 $0xFFFFF9C0  }
0xa8: {  	_ =	swait.ge [sflag:s8], $0xC800  }
0xa9: {  	[sflag:s8] =	ssyncset.done $0x0  }
0xaa: {  	[sflag:s8] =	ssyncadd.s32 $0xFFFF3800  }
0xab: {  	[tilespmem:s7], [sflag:$0x3] =	stream.indirect.gather [hbm4b:s3+s11], $0x20, s2, s11, $0xb8;
	[tilespmem:$0x19C80] =	vst v63  }
0xac: {  	_ =	swait.ge [sflag:s13], $0xC800  }
0xad: {  	[sflag:s13] =	ssyncset.done $0x0  }
0xae: {  	[sflag:s13] =	ssyncadd.s32 $0xFFFF3800  }
0xaf: {  	[tilespmem:s11], [sflag:$0x2] =	stream.linear.gather [hbm4b:s23+s2], $0x640, $0x38;
	[tilespmem:$0x19C80] =	vst v63  }
0xb0: {  	_ = 	snop  }
0xb1: {  	[hbm4b:s24+s2] =	stream.linear.scatter [tilespmem:s9], [sflag:$0x6], $0xC800, $0x38;
	[tilespmem:$0x19C80] =	vst v63  }
0xb2: {  	_ =	swait.ge [sflag:s17], $0x640  }
0xb3: {  	[sflag:s17] =	ssyncset.done $0x0  }
0xb4: {  	[sflag:s17] =	ssyncadd.s32 $0xFFFFF9C0  }
0xb5: {  	_ =	swait.ge [sflag:s31], $0xC800  }
0xb6: {  	[sflag:s31] =	ssyncset.done $0x0  }
0xb7: {  	[sflag:s31] =	ssyncadd.s32 $0xFFFF3800  }
0xb8: {  	[tilespmem:s9], [sflag:$0x4] =	stream.indirect.gather [hbm4b:s3+s11], $0x20, s11, s11, $0xb8;
	[tilespmem:$0x19C80] =	vst v63  }
0xb9: {  	_ =	swait.ge [sflag:s14], $0xC800  }
0xba: {  	[sflag:s14] =	ssyncset.done $0x0  }
0xbb: {  	[sflag:s14] =	ssyncadd.s32 $0xFFFF3800  }
0xbc: {  	[tilespmem:s2], [sflag:$0x1] =	stream.linear.gather [hbm4b:s21+s2], $0x640, $0x38;
	[tilespmem:$0x19C80] =	vst v63  }
0xbd: {  	_ = 	snop  }
0xbe: {  	[hbm4b:s22+s2] =	stream.linear.scatter [tilespmem:s7], [sflag:$0x5], $0xC800, $0x38;
	[tilespmem:$0x19C80] =	vst v63  }
0xbf: {  	_ =	swait.ge [sflag:s20], $0x640  }
0xc0: {  	[sflag:s20] =	ssyncset.done $0x0  }
0xc1: {  	[sflag:s20] =	ssyncadd.s32 $0xFFFFF9C0  }
0xc2: {  	_ =	swait.ge [sflag:s8], $0xC800  }
0xc3: {  	[sflag:s8] =	ssyncset.done $0x0  }
0xc4: {  	[sflag:s8] =	ssyncadd.s32 $0xFFFF3800  }
0xc5: {  	[tilespmem:s7], [sflag:$0x3] =	stream.indirect.gather [hbm4b:s3+s11], $0x20, s2, s11, $0xb8;
	[tilespmem:$0x19C80] =	vst v63  }
0xc6: {  	_ =	swait.ge [sflag:s13], $0xC800  }
0xc7: {  	[sflag:s13] =	ssyncset.done $0x0  }
0xc8: {  	[sflag:s13] =	ssyncadd.s32 $0xFFFF3800  }
0xc9: {  	[tilespmem:s11], [sflag:$0x2] =	stream.linear.gather [hbm4b:s18+s2], $0x640, $0x38;
	[tilespmem:$0x19C80] =	vst v63  }
0xca: {  	_ = 	snop  }
0xcb: {  	[hbm4b:s19+s2] =	stream.linear.scatter [tilespmem:s9], [sflag:$0x6], $0xC800, $0x38;
	[tilespmem:$0x19C80] =	vst v63  }
0xcc: {  	_ =	swait.ge [sflag:s17], $0x640  }
0xcd: {  	[sflag:s17] =	ssyncset.done $0x0  }
0xce: {  	[sflag:s17] =	ssyncadd.s32 $0xFFFFF9C0  }
0xcf: {  	_ =	swait.ge [sflag:s31], $0xC800  }
0xd0: {  	[sflag:s31] =	ssyncset.done $0x0  }
0xd1: {  	[sflag:s31] =	ssyncadd.s32 $0xFFFF3800  }
0xd2: {  	[tilespmem:s9], [sflag:$0x4] =	stream.indirect.gather [hbm4b:s3+s11], $0x20, s11, s11, $0xb8;
	[tilespmem:$0x19C80] =	vst v63  }
0xd3: {  	_ =	swait.ge [sflag:s14], $0xC800  }
0xd4: {  	[sflag:s14] =	ssyncset.done $0x0  }
0xd5: {  	[sflag:s14] =	ssyncadd.s32 $0xFFFF3800  }
0xd6: {  	[tilespmem:s2], [sflag:$0x1] =	stream.linear.gather [hbm4b:s15+s2], $0x640, $0x38;
	[tilespmem:$0x19C80] =	vst v63  }
0xd7: {  	_ = 	snop  }
0xd8: {  	[hbm4b:s16+s2] =	stream.linear.scatter [tilespmem:s7], [sflag:$0x5], $0xC800, $0x38;
	[tilespmem:$0x19C80] =	vst v63  }
0xd9: {  	_ =	swait.ge [sflag:s20], $0x640  }
0xda: {  	[sflag:s20] =	ssyncset.done $0x0  }
0xdb: {  	[sflag:s20] =	ssyncadd.s32 $0xFFFFF9C0  }
0xdc: {  	_ =	swait.ge [sflag:s8], $0xC800  }
0xdd: {  	[sflag:s8] =	ssyncset.done $0x0  }
0xde: {  	[sflag:s8] =	ssyncadd.s32 $0xFFFF3800  }
0xdf: {  	[tilespmem:s7], [sflag:$0x3] =	stream.indirect.gather [hbm4b:s3+s11], $0x20, s2, s11, $0xb8;
	[tilespmem:$0x19C80] =	vst v63  }
0xe0: {  	_ =	swait.ge [sflag:s13], $0xC800  }
0xe1: {  	[sflag:s13] =	ssyncset.done $0x0  }
0xe2: {  	[sflag:s13] =	ssyncadd.s32 $0xFFFF3800  }
0xe3: {  	[tilespmem:s11], [sflag:$0x2] =	stream.linear.gather [hbm4b:s5+s2], $0x640, $0x38;
	[tilespmem:$0x19C80] =	vst v63  }
0xe4: {  	_ = 	snop  }
0xe5: {  	[hbm4b:s12+s2] =	stream.linear.scatter [tilespmem:s9], [sflag:$0x6], $0xC800, $0x38;
	[tilespmem:$0x19C80] =	vst v63  }
0xe6: {  	_ =	swait.ge [sflag:s17], $0x640  }
0xe7: {  	[sflag:s17] =	ssyncset.done $0x0  }
0xe8: {  	[sflag:s17] =	ssyncadd.s32 $0xFFFFF9C0  }
0xe9: {  	_ =	swait.ge [sflag:s31], $0xC800  }
0xea: {  	[sflag:s31] =	ssyncset.done $0x0  }
0xeb: {  	[sflag:s31] =	ssyncadd.s32 $0xFFFF3800  }
0xec: {  	[tilespmem:s9], [sflag:$0x4] =	stream.indirect.gather [hbm4b:s3+s11], $0x20, s11, s11, $0xb8;
	[tilespmem:$0x19C80] =	vst v63  }
0xed: {  	_ =	swait.ge [sflag:s14], $0xC800  }
0xee: {  	[sflag:s14] =	ssyncset.done $0x0  }
0xef: {  	[sflag:s14] =	ssyncadd.s32 $0xFFFF3800  }
0xf0: {  	[hbm4b:s10+s2] =	stream.linear.scatter [tilespmem:s7], [sflag:$0x5], $0xC800, $0x38;
	[tilespmem:$0x19C80] =	vst v63  }
0xf1: {  	_ =	swait.ge [sflag:s13], $0xC800  }
0xf2: {  	[sflag:s13] =	ssyncset.done $0x0  }
0xf3: {  	[sflag:s13] =	ssyncadd.s32 $0xFFFF3800  }
0xf4: {  	[hbm4b:s4+s2] =	stream.linear.scatter [tilespmem:s9], [sflag:$0x6], $0xC800, $0x38;
	[tilespmem:$0x19C80] =	vst v63  }
0xf5: {  	_ =	swait.ge [sflag:s8], $0xC800  }
0xf6: {  	s1 =	rddreg [dreg:$0x12]  }
0xf7: {  	p1 =	sne.s32 s1, $0x1  }
.Ltmp1:
0xf8: {  	_ = 	snop;
	(pc) =	sbr.rel @!p1 .LBB2_3-.Ltmp1, $4  }
0xf9: {  	[sflag:s8] =	ssyncset.done $0x0  }
0xfa: {  	[sflag:s8] =	ssyncadd.s32 $0xFFFF3800  }
0xfb: {  	p0 =	por $0x1, $0x1;
	_ =	swait.ge [sflag:s31], $0xC800;
	[dreg:$0x11] =	wrdreg s6  }
0xfc: {  	s1 =	sadd.s32 $0xFFFFFFFF, s1;
	s0 =	rddreg [dreg:$0x3];
	[sflag:s31] =	ssyncset.done $0x0  }
.LBB2_2:
0xfd: {  	[sflag:s31] =	ssyncadd.s32 $0xFFFF3800;
	s7 =	smov.u32 s30;
	s30 =	smov.u32 s29  }
0xfe: {  	s29 =	smov.u32 s28;
	s28 =	smov.u32 s26;
	s26 =	smov.u32 s25  }
0xff: {  	s25 =	smov.u32 s24;
	s24 =	smov.u32 s23;
	s23 =	smov.u32 s22  }
0x100: {  	s22 =	smov.u32 s21;
	s21 =	smov.u32 s19;
	s19 =	smov.u32 s18  }
0x101: {  	s18 =	smov.u32 s16;
	s16 =	smov.u32 s15;
	s15 =	smov.u32 s12  }
0x102: {  	[tilespmem:s2], [sflag:$0x1] =	stream.linear.gather [hbm4b:s0+s2], $0x640, $0x38;
	[tilespmem:$0x19C80] =	vst v63  }
0x103: {  	s12 =	smov.u32 s5;
	s5 =	smov.u32 s4;
	s4 =	rddreg [dreg:$0x4]  }
0x104: {  	[tilespmem:s11], [sflag:$0x2] =	stream.linear.gather [hbm4b:s4+s2], $0x640, $0x38;
	[tilespmem:$0x19C80] =	vst v63  }
0x105: {  	_ =	swait.ge [sflag:s20], $0x640  }
0x106: {  	[sflag:s20] =	ssyncset.done $0x0  }
0x107: {  	s9 =	simm.s32 $0xC80;
	[sflag:s20] =	ssyncadd.s32 $0xFFFFF9C0  }
0x108: {  	[tilespmem:s9], [sflag:$0x3] =	stream.indirect.gather [hbm4b:s3+s11], $0x20, s2, s11, $0xb8;
	[tilespmem:$0x19C80] =	vst v63  }
0x109: {  	_ =	swait.ge [sflag:s17], $0x640  }
0x10a: {  	[sflag:s17] =	ssyncset.done $0x0  }
0x10b: {  	s6 =	simm.s32 $0xD480;
	[sflag:s17] =	ssyncadd.s32 $0xFFFFF9C0  }
0x10c: {  	[tilespmem:s6], [sflag:$0x4] =	stream.indirect.gather [hbm4b:s3+s11], $0x20, s11, s11, $0xb8;
	[tilespmem:$0x19C80] =	vst v63  }
0x10d: {  	_ =	swait.ge [sflag:s14], $0xC800  }
0x10e: {  	[sflag:s14] =	ssyncset.done $0x0  }
0x10f: {  	s0 =	rddreg [dreg:$0x5];
	[sflag:s14] =	ssyncadd.s32 $0xFFFF3800  }
0x110: {  	[tilespmem:s2], [sflag:$0x1] =	stream.linear.gather [hbm4b:s0+s2], $0x640, $0x38;
	[tilespmem:$0x19C80] =	vst v63  }
0x111: {  	s4 =	rddreg [dreg:$0x6]  }
0x112: {  	[hbm4b:s4+s2] =	stream.linear.scatter [tilespmem:s9], [sflag:$0x5], $0xC800, $0x38;
	[tilespmem:$0x19C80] =	vst v63  }
0x113: {  	_ =	swait.ge [sflag:s20], $0x640  }
0x114: {  	[sflag:s20] =	ssyncset.done $0x0  }
0x115: {  	[sflag:s20] =	ssyncadd.s32 $0xFFFFF9C0  }
0x116: {  	_ =	swait.ge [sflag:s8], $0xC800  }
0x117: {  	[sflag:s8] =	ssyncset.done $0x0  }
0x118: {  	[sflag:s8] =	ssyncadd.s32 $0xFFFF3800  }
0x119: {  	[tilespmem:s9], [sflag:$0x3] =	stream.indirect.gather [hbm4b:s3+s11], $0x20, s2, s11, $0xb8;
	[tilespmem:$0x19C80] =	vst v63  }
0x11a: {  	_ =	swait.ge [sflag:s13], $0xC800  }
0x11b: {  	[sflag:s13] =	ssyncset.done $0x0  }
0x11c: {  	s0 =	rddreg [dreg:$0x7];
	[sflag:s13] =	ssyncadd.s32 $0xFFFF3800  }
0x11d: {  	[tilespmem:s11], [sflag:$0x2] =	stream.linear.gather [hbm4b:s0+s2], $0x640, $0x38;
	[tilespmem:$0x19C80] =	vst v63  }
0x11e: {  	s4 =	rddreg [dreg:$0x8]  }
0x11f: {  	[hbm4b:s4+s2] =	stream.linear.scatter [tilespmem:s6], [sflag:$0x6], $0xC800, $0x38;
	[tilespmem:$0x19C80] =	vst v63  }
0x120: {  	_ =	swait.ge [sflag:s17], $0x640  }
0x121: {  	[sflag:s17] =	ssyncset.done $0x0  }
0x122: {  	[sflag:s17] =	ssyncadd.s32 $0xFFFFF9C0  }
0x123: {  	_ =	swait.ge [sflag:s31], $0xC800  }
0x124: {  	[sflag:s31] =	ssyncset.done $0x0  }
0x125: {  	[sflag:s31] =	ssyncadd.s32 $0xFFFF3800  }
0x126: {  	[tilespmem:s6], [sflag:$0x4] =	stream.indirect.gather [hbm4b:s3+s11], $0x20, s11, s11, $0xb8;
	[tilespmem:$0x19C80] =	vst v63  }
0x127: {  	_ =	swait.ge [sflag:s14], $0xC800  }
0x128: {  	[sflag:s14] =	ssyncset.done $0x0  }
0x129: {  	s0 =	rddreg [dreg:$0x9];
	[sflag:s14] =	ssyncadd.s32 $0xFFFF3800  }
0x12a: {  	[tilespmem:s2], [sflag:$0x1] =	stream.linear.gather [hbm4b:s0+s2], $0x640, $0x38;
	[tilespmem:$0x19C80] =	vst v63  }
0x12b: {  	s4 =	rddreg [dreg:$0xa]  }
0x12c: {  	[hbm4b:s4+s2] =	stream.linear.scatter [tilespmem:s9], [sflag:$0x5], $0xC800, $0x38;
	[tilespmem:$0x19C80] =	vst v63  }
0x12d: {  	_ =	swait.ge [sflag:s20], $0x640  }
0x12e: {  	[sflag:s20] =	ssyncset.done $0x0  }
0x12f: {  	[sflag:s20] =	ssyncadd.s32 $0xFFFFF9C0  }
0x130: {  	_ =	swait.ge [sflag:s8], $0xC800  }
0x131: {  	[sflag:s8] =	ssyncset.done $0x0  }
0x132: {  	[sflag:s8] =	ssyncadd.s32 $0xFFFF3800  }
0x133: {  	[tilespmem:s9], [sflag:$0x3] =	stream.indirect.gather [hbm4b:s3+s11], $0x20, s2, s11, $0xb8;
	[tilespmem:$0x19C80] =	vst v63  }
0x134: {  	_ =	swait.ge [sflag:s13], $0xC800  }
0x135: {  	[sflag:s13] =	ssyncset.done $0x0  }
0x136: {  	s0 =	rddreg [dreg:$0xb];
	[sflag:s13] =	ssyncadd.s32 $0xFFFF3800  }
0x137: {  	[tilespmem:s11], [sflag:$0x2] =	stream.linear.gather [hbm4b:s0+s2], $0x640, $0x38;
	[tilespmem:$0x19C80] =	vst v63  }
0x138: {  	s4 =	rddreg [dreg:$0xc]  }
0x139: {  	[hbm4b:s4+s2] =	stream.linear.scatter [tilespmem:s6], [sflag:$0x6], $0xC800, $0x38;
	[tilespmem:$0x19C80] =	vst v63  }
0x13a: {  	_ =	swait.ge [sflag:s17], $0x640  }
0x13b: {  	[sflag:s17] =	ssyncset.done $0x0  }
0x13c: {  	[sflag:s17] =	ssyncadd.s32 $0xFFFFF9C0  }
0x13d: {  	_ =	swait.ge [sflag:s31], $0xC800  }
0x13e: {  	[sflag:s31] =	ssyncset.done $0x0  }
0x13f: {  	[sflag:s31] =	ssyncadd.s32 $0xFFFF3800  }
0x140: {  	[tilespmem:s6], [sflag:$0x4] =	stream.indirect.gather [hbm4b:s3+s11], $0x20, s11, s11, $0xb8;
	[tilespmem:$0x19C80] =	vst v63  }
0x141: {  	_ =	swait.ge [sflag:s14], $0xC800  }
0x142: {  	[sflag:s14] =	ssyncset.done $0x0  }
0x143: {  	s4 =	rddreg [dreg:$0xd];
	[sflag:s14] =	ssyncadd.s32 $0xFFFF3800  }
0x144: {  	[tilespmem:s2], [sflag:$0x1] =	stream.linear.gather [hbm4b:s4+s2], $0x640, $0x38;
	[tilespmem:$0x19C80] =	vst v63  }
0x145: {  	s6 =	rddreg [dreg:$0xe]  }
0x146: {  	[hbm4b:s6+s2] =	stream.linear.scatter [tilespmem:s9], [sflag:$0x5], $0xC800, $0x38;
	[tilespmem:$0x19C80] =	vst v63  }
0x147: {  	_ =	swait.ge [sflag:s20], $0x640  }
0x148: {  	[sflag:s20] =	ssyncset.done $0x0  }
0x149: {  	[sflag:s20] =	ssyncadd.s32 $0xFFFFF9C0  }
0x14a: {  	_ =	swait.ge [sflag:s8], $0xC800  }
0x14b: {  	[sflag:s8] =	ssyncset.done $0x0  }
0x14c: {  	[sflag:s8] =	ssyncadd.s32 $0xFFFF3800  }
0x14d: {  	[tilespmem:s9], [sflag:$0x3] =	stream.indirect.gather [hbm4b:s3+s11], $0x20, s2, s11, $0xb8;
	[tilespmem:$0x19C80] =	vst v63  }
0x14e: {  	_ =	swait.ge [sflag:s13], $0xC800  }
0x14f: {  	[sflag:s13] =	ssyncset.done $0x0  }
0x150: {  	s4 =	rddreg [dreg:$0xf];
	[sflag:s13] =	ssyncadd.s32 $0xFFFF3800  }
0x151: {  	[tilespmem:s11], [sflag:$0x2] =	stream.linear.gather [hbm4b:s4+s2], $0x640, $0x38;
	[tilespmem:$0x19C80] =	vst v63  }
0x152: {  	s9 =	simm.s32 $0xD480;
	s6 =	rddreg [dreg:$0x10]  }
0x153: {  	[hbm4b:s6+s2] =	stream.linear.scatter [tilespmem:s9], [sflag:$0x6], $0xC800, $0x38;
	[tilespmem:$0x19C80] =	vst v63  }
0x154: {  	s6 =	rddreg [dreg:$0x11];
	_ =	swait.ge [sflag:s17], $0x640  }
0x155: {  	s4 =	smov.u32 s5;
	s5 =	smov.u32 s12;
	[sflag:s17] =	ssyncset.done $0x0  }
0x156: {  	s12 =	smov.u32 s15;
	s15 =	smov.u32 s16;
	[sflag:s17] =	ssyncadd.s32 $0xFFFFF9C0  }
0x157: {  	s16 =	smov.u32 s18;
	s18 =	smov.u32 s19;
	_ =	swait.ge [sflag:s31], $0xC800  }
0x158: {  	s19 =	smov.u32 s21;
	s21 =	smov.u32 s22;
	[sflag:s31] =	ssyncset.done $0x0  }
0x159: {  	s22 =	smov.u32 s23;
	s23 =	smov.u32 s24;
	[sflag:s31] =	ssyncadd.s32 $0xFFFF3800  }
0x15a: {  	[tilespmem:s9], [sflag:$0x4] =	stream.indirect.gather [hbm4b:s3+s11], $0x20, s11, s11, $0xb8;
	[tilespmem:$0x19C80] =	vst v63  }
0x15b: {  	s24 =	smov.u32 s25;
	s25 =	smov.u32 s26;
	_ =	swait.ge [sflag:s14], $0xC800  }
0x15c: {  	s26 =	smov.u32 s28;
	s28 =	smov.u32 s29;
	[sflag:s14] =	ssyncset.done $0x0  }
0x15d: {  	s29 =	smov.u32 s30;
	s30 =	smov.u32 s7;
	[sflag:s14] =	ssyncadd.s32 $0xFFFF3800  }
0x15e: {  	[tilespmem:s2], [sflag:$0x1] =	stream.linear.gather [hbm4b:s30+s2], $0x640, $0x38;
	[tilespmem:$0x19C80] =	vst v63  }
0x15f: {  	s7 =	simm.s32 $0xC80  }
0x160: {  	[hbm4b:s6+s2] =	stream.linear.scatter [tilespmem:s7], [sflag:$0x5], $0xC800, $0x38;
	[tilespmem:$0x19C80] =	vst v63  }
0x161: {  	_ =	swait.ge [sflag:s20], $0x640  }
0x162: {  	[sflag:s20] =	ssyncset.done $0x0  }
0x163: {  	[sflag:s20] =	ssyncadd.s32 $0xFFFFF9C0  }
0x164: {  	_ =	swait.ge [sflag:s8], $0xC800  }
0x165: {  	[sflag:s8] =	ssyncset.done $0x0  }
0x166: {  	[sflag:s8] =	ssyncadd.s32 $0xFFFF3800  }
0x167: {  	[tilespmem:s7], [sflag:$0x3] =	stream.indirect.gather [hbm4b:s3+s11], $0x20, s2, s11, $0xb8;
	[tilespmem:$0x19C80] =	vst v63  }
0x168: {  	_ =	swait.ge [sflag:s13], $0xC800  }
0x169: {  	[sflag:s13] =	ssyncset.done $0x0  }
0x16a: {  	[sflag:s13] =	ssyncadd.s32 $0xFFFF3800  }
0x16b: {  	[tilespmem:s11], [sflag:$0x2] =	stream.linear.gather [hbm4b:s28+s2], $0x640, $0x38;
	[tilespmem:$0x19C80] =	vst v63  }
0x16c: {  	_ = 	snop  }
0x16d: {  	[hbm4b:s29+s2] =	stream.linear.scatter [tilespmem:s9], [sflag:$0x6], $0xC800, $0x38;
	[tilespmem:$0x19C80] =	vst v63  }
0x16e: {  	_ =	swait.ge [sflag:s17], $0x640  }
0x16f: {  	[sflag:s17] =	ssyncset.done $0x0  }
0x170: {  	[sflag:s17] =	ssyncadd.s32 $0xFFFFF9C0  }
0x171: {  	_ =	swait.ge [sflag:s31], $0xC800  }
0x172: {  	[sflag:s31] =	ssyncset.done $0x0  }
0x173: {  	[sflag:s31] =	ssyncadd.s32 $0xFFFF3800  }
0x174: {  	[tilespmem:s9], [sflag:$0x4] =	stream.indirect.gather [hbm4b:s3+s11], $0x20, s11, s11, $0xb8;
	[tilespmem:$0x19C80] =	vst v63  }
0x175: {  	_ =	swait.ge [sflag:s14], $0xC800  }
0x176: {  	[sflag:s14] =	ssyncset.done $0x0  }
0x177: {  	[sflag:s14] =	ssyncadd.s32 $0xFFFF3800  }
0x178: {  	[tilespmem:s2], [sflag:$0x1] =	stream.linear.gather [hbm4b:s25+s2], $0x640, $0x38;
	[tilespmem:$0x19C80] =	vst v63  }
0x179: {  	_ = 	snop  }
0x17a: {  	[hbm4b:s26+s2] =	stream.linear.scatter [tilespmem:s7], [sflag:$0x5], $0xC800, $0x38;
	[tilespmem:$0x19C80] =	vst v63  }
0x17b: {  	_ =	swait.ge [sflag:s20], $0x640  }
0x17c: {  	[sflag:s20] =	ssyncset.done $0x0  }
0x17d: {  	[sflag:s20] =	ssyncadd.s32 $0xFFFFF9C0  }
0x17e: {  	_ =	swait.ge [sflag:s8], $0xC800  }
0x17f: {  	[sflag:s8] =	ssyncset.done $0x0  }
0x180: {  	[sflag:s8] =	ssyncadd.s32 $0xFFFF3800  }
0x181: {  	[tilespmem:s7], [sflag:$0x3] =	stream.indirect.gather [hbm4b:s3+s11], $0x20, s2, s11, $0xb8;
	[tilespmem:$0x19C80] =	vst v63  }
0x182: {  	_ =	swait.ge [sflag:s13], $0xC800  }
0x183: {  	[sflag:s13] =	ssyncset.done $0x0  }
0x184: {  	[sflag:s13] =	ssyncadd.s32 $0xFFFF3800  }
0x185: {  	[tilespmem:s11], [sflag:$0x2] =	stream.linear.gather [hbm4b:s23+s2], $0x640, $0x38;
	[tilespmem:$0x19C80] =	vst v63  }
0x186: {  	_ = 	snop  }
0x187: {  	[hbm4b:s24+s2] =	stream.linear.scatter [tilespmem:s9], [sflag:$0x6], $0xC800, $0x38;
	[tilespmem:$0x19C80] =	vst v63  }
0x188: {  	_ =	swait.ge [sflag:s17], $0x640  }
0x189: {  	[sflag:s17] =	ssyncset.done $0x0  }
0x18a: {  	[sflag:s17] =	ssyncadd.s32 $0xFFFFF9C0  }
0x18b: {  	_ =	swait.ge [sflag:s31], $0xC800  }
0x18c: {  	[sflag:s31] =	ssyncset.done $0x0  }
0x18d: {  	[sflag:s31] =	ssyncadd.s32 $0xFFFF3800  }
0x18e: {  	[tilespmem:s9], [sflag:$0x4] =	stream.indirect.gather [hbm4b:s3+s11], $0x20, s11, s11, $0xb8;
	[tilespmem:$0x19C80] =	vst v63  }
0x18f: {  	_ =	swait.ge [sflag:s14], $0xC800  }
0x190: {  	[sflag:s14] =	ssyncset.done $0x0  }
0x191: {  	[sflag:s14] =	ssyncadd.s32 $0xFFFF3800  }
0x192: {  	[tilespmem:s2], [sflag:$0x1] =	stream.linear.gather [hbm4b:s21+s2], $0x640, $0x38;
	[tilespmem:$0x19C80] =	vst v63  }
0x193: {  	_ = 	snop  }
0x194: {  	[hbm4b:s22+s2] =	stream.linear.scatter [tilespmem:s7], [sflag:$0x5], $0xC800, $0x38;
	[tilespmem:$0x19C80] =	vst v63  }
0x195: {  	_ =	swait.ge [sflag:s20], $0x640  }
0x196: {  	[sflag:s20] =	ssyncset.done $0x0  }
0x197: {  	[sflag:s20] =	ssyncadd.s32 $0xFFFFF9C0  }
0x198: {  	_ =	swait.ge [sflag:s8], $0xC800  }
0x199: {  	[sflag:s8] =	ssyncset.done $0x0  }
0x19a: {  	[sflag:s8] =	ssyncadd.s32 $0xFFFF3800  }
0x19b: {  	[tilespmem:s7], [sflag:$0x3] =	stream.indirect.gather [hbm4b:s3+s11], $0x20, s2, s11, $0xb8;
	[tilespmem:$0x19C80] =	vst v63  }
0x19c: {  	_ =	swait.ge [sflag:s13], $0xC800  }
0x19d: {  	[sflag:s13] =	ssyncset.done $0x0  }
0x19e: {  	[sflag:s13] =	ssyncadd.s32 $0xFFFF3800  }
0x19f: {  	[tilespmem:s11], [sflag:$0x2] =	stream.linear.gather [hbm4b:s18+s2], $0x640, $0x38;
	[tilespmem:$0x19C80] =	vst v63  }
0x1a0: {  	_ = 	snop  }
0x1a1: {  	[hbm4b:s19+s2] =	stream.linear.scatter [tilespmem:s9], [sflag:$0x6], $0xC800, $0x38;
	[tilespmem:$0x19C80] =	vst v63  }
0x1a2: {  	_ =	swait.ge [sflag:s17], $0x640  }
0x1a3: {  	[sflag:s17] =	ssyncset.done $0x0  }
0x1a4: {  	[sflag:s17] =	ssyncadd.s32 $0xFFFFF9C0  }
0x1a5: {  	_ =	swait.ge [sflag:s31], $0xC800  }
0x1a6: {  	[sflag:s31] =	ssyncset.done $0x0  }
0x1a7: {  	[sflag:s31] =	ssyncadd.s32 $0xFFFF3800  }
0x1a8: {  	[tilespmem:s9], [sflag:$0x4] =	stream.indirect.gather [hbm4b:s3+s11], $0x20, s11, s11, $0xb8;
	[tilespmem:$0x19C80] =	vst v63  }
0x1a9: {  	_ =	swait.ge [sflag:s14], $0xC800  }
0x1aa: {  	[sflag:s14] =	ssyncset.done $0x0  }
0x1ab: {  	[sflag:s14] =	ssyncadd.s32 $0xFFFF3800  }
0x1ac: {  	[tilespmem:s2], [sflag:$0x1] =	stream.linear.gather [hbm4b:s15+s2], $0x640, $0x38;
	[tilespmem:$0x19C80] =	vst v63  }
0x1ad: {  	_ = 	snop  }
0x1ae: {  	[hbm4b:s16+s2] =	stream.linear.scatter [tilespmem:s7], [sflag:$0x5], $0xC800, $0x38;
	[tilespmem:$0x19C80] =	vst v63  }
0x1af: {  	_ =	swait.ge [sflag:s20], $0x640  }
0x1b0: {  	[sflag:s20] =	ssyncset.done $0x0  }
0x1b1: {  	[sflag:s20] =	ssyncadd.s32 $0xFFFFF9C0  }
0x1b2: {  	_ =	swait.ge [sflag:s8], $0xC800  }
0x1b3: {  	[sflag:s8] =	ssyncset.done $0x0  }
0x1b4: {  	[sflag:s8] =	ssyncadd.s32 $0xFFFF3800  }
0x1b5: {  	[tilespmem:s7], [sflag:$0x3] =	stream.indirect.gather [hbm4b:s3+s11], $0x20, s2, s11, $0xb8;
	[tilespmem:$0x19C80] =	vst v63  }
0x1b6: {  	_ =	swait.ge [sflag:s13], $0xC800  }
0x1b7: {  	[sflag:s13] =	ssyncset.done $0x0  }
0x1b8: {  	[sflag:s13] =	ssyncadd.s32 $0xFFFF3800  }
0x1b9: {  	[tilespmem:s11], [sflag:$0x2] =	stream.linear.gather [hbm4b:s5+s2], $0x640, $0x38;
	[tilespmem:$0x19C80] =	vst v63  }
0x1ba: {  	_ = 	snop  }
0x1bb: {  	[hbm4b:s12+s2] =	stream.linear.scatter [tilespmem:s9], [sflag:$0x6], $0xC800, $0x38;
	[tilespmem:$0x19C80] =	vst v63  }
0x1bc: {  	_ =	swait.ge [sflag:s17], $0x640  }
0x1bd: {  	[sflag:s17] =	ssyncset.done $0x0  }
0x1be: {  	[sflag:s17] =	ssyncadd.s32 $0xFFFFF9C0  }
0x1bf: {  	_ =	swait.ge [sflag:s31], $0xC800  }
0x1c0: {  	[sflag:s31] =	ssyncset.done $0x0  }
0x1c1: {  	[sflag:s31] =	ssyncadd.s32 $0xFFFF3800  }
0x1c2: {  	[tilespmem:s9], [sflag:$0x4] =	stream.indirect.gather [hbm4b:s3+s11], $0x20, s11, s11, $0xb8;
	[tilespmem:$0x19C80] =	vst v63  }
0x1c3: {  	_ =	swait.ge [sflag:s14], $0xC800  }
0x1c4: {  	[sflag:s14] =	ssyncset.done $0x0  }
0x1c5: {  	[sflag:s14] =	ssyncadd.s32 $0xFFFF3800  }
0x1c6: {  	[hbm4b:s10+s2] =	stream.linear.scatter [tilespmem:s7], [sflag:$0x5], $0xC800, $0x38;
	[tilespmem:$0x19C80] =	vst v63  }
0x1c7: {  	_ =	swait.ge [sflag:s13], $0xC800  }
0x1c8: {  	[sflag:s13] =	ssyncset.done $0x0  }
0x1c9: {  	p1 =	sne.s32 s1, $0x1;
	[sflag:s13] =	ssyncadd.s32 $0xFFFF3800  }
0x1ca: {  	[hbm4b:s4+s2] =	stream.linear.scatter [tilespmem:s9], [sflag:$0x6], $0xC800, $0x38;
	[tilespmem:$0x19C80] =	vst v63  }
.Ltmp2:
0x1cb: {  	_ =	swait.ge [sflag:s8], $0xC800;
	(pc) =	sbr.rel @p1 .LBB2_2-.Ltmp2, $4  }
0x1cc: {  	[sflag:s8] =	ssyncset.done $0x0  }
0x1cd: {  	[sflag:s8] =	ssyncadd.s32 $0xFFFF3800  }
0x1ce: {  	_ =	swait.ge [sflag:s31], $0xC800  }
0x1cf: {  	s1 =	sadd.s32 $0xFFFFFFFF, s1;
	s0 =	rddreg [dreg:$0x3];
	[sflag:s31] =	ssyncset.done $0x0  }
.LBB2_3:
0x1d0: {  	[sflag:s31] =	ssyncadd.s32 @p0 $0xFFFF3800  }
0x1d1: {  	[tilespmem:s2], [sflag:$0x1] =	stream.linear.gather [hbm4b:s0+s2], $0x640, $0x38;
	[tilespmem:$0x19C80] =	vst v63  }
0x1d2: {  	s1 =	rddreg [dreg:$0x4]  }
0x1d3: {  	[tilespmem:s11], [sflag:$0x2] =	stream.linear.gather [hbm4b:s1+s2], $0x640, $0x38;
	[tilespmem:$0x19C80] =	vst v63  }
0x1d4: {  	_ =	swait.ge [sflag:s20], $0x640  }
0x1d5: {  	[sflag:s20] =	ssyncset.done $0x0  }
0x1d6: {  	[sflag:s20] =	ssyncadd.s32 $0xFFFFF9C0  }
0x1d7: {  	[tilespmem:s7], [sflag:$0x3] =	stream.indirect.gather [hbm4b:s3+s11], $0x20, s2, s11, $0xb8;
	[tilespmem:$0x19C80] =	vst v63  }
0x1d8: {  	_ =	swait.ge [sflag:s17], $0x640  }
0x1d9: {  	[sflag:s17] =	ssyncset.done $0x0  }
0x1da: {  	[sflag:s17] =	ssyncadd.s32 $0xFFFFF9C0  }
0x1db: {  	[tilespmem:s9], [sflag:$0x4] =	stream.indirect.gather [hbm4b:s3+s11], $0x20, s11, s11, $0xb8;
	[tilespmem:$0x19C80] =	vst v63  }
0x1dc: {  	_ =	swait.ge [sflag:s14], $0xC800  }
0x1dd: {  	[sflag:s14] =	ssyncset.done $0x0  }
0x1de: {  	s0 =	rddreg [dreg:$0x5];
	[sflag:s14] =	ssyncadd.s32 $0xFFFF3800  }
0x1df: {  	[tilespmem:s2], [sflag:$0x1] =	stream.linear.gather [hbm4b:s0+s2], $0x640, $0x38;
	[tilespmem:$0x19C80] =	vst v63  }
0x1e0: {  	s1 =	rddreg [dreg:$0x6]  }
0x1e1: {  	[hbm4b:s1+s2] =	stream.linear.scatter [tilespmem:s7], [sflag:$0x5], $0xC800, $0x38;
	[tilespmem:$0x19C80] =	vst v63  }
0x1e2: {  	_ =	swait.ge [sflag:s20], $0x640  }
0x1e3: {  	[sflag:s20] =	ssyncset.done $0x0  }
0x1e4: {  	[sflag:s20] =	ssyncadd.s32 $0xFFFFF9C0  }
0x1e5: {  	_ =	swait.ge [sflag:s8], $0xC800  }
0x1e6: {  	[sflag:s8] =	ssyncset.done $0x0  }
0x1e7: {  	[sflag:s8] =	ssyncadd.s32 $0xFFFF3800  }
0x1e8: {  	[tilespmem:s7], [sflag:$0x3] =	stream.indirect.gather [hbm4b:s3+s11], $0x20, s2, s11, $0xb8;
	[tilespmem:$0x19C80] =	vst v63  }
0x1e9: {  	_ =	swait.ge [sflag:s13], $0xC800  }
0x1ea: {  	[sflag:s13] =	ssyncset.done $0x0  }
0x1eb: {  	s0 =	rddreg [dreg:$0x7];
	[sflag:s13] =	ssyncadd.s32 $0xFFFF3800  }
0x1ec: {  	[tilespmem:s11], [sflag:$0x2] =	stream.linear.gather [hbm4b:s0+s2], $0x640, $0x38;
	[tilespmem:$0x19C80] =	vst v63  }
0x1ed: {  	s1 =	rddreg [dreg:$0x8]  }
0x1ee: {  	[hbm4b:s1+s2] =	stream.linear.scatter [tilespmem:s9], [sflag:$0x6], $0xC800, $0x38;
	[tilespmem:$0x19C80] =	vst v63  }
0x1ef: {  	_ =	swait.ge [sflag:s17], $0x640  }
0x1f0: {  	[sflag:s17] =	ssyncset.done $0x0  }
0x1f1: {  	[sflag:s17] =	ssyncadd.s32 $0xFFFFF9C0  }
0x1f2: {  	_ =	swait.ge [sflag:s31], $0xC800  }
0x1f3: {  	[sflag:s31] =	ssyncset.done $0x0  }
0x1f4: {  	[sflag:s31] =	ssyncadd.s32 $0xFFFF3800  }
0x1f5: {  	[tilespmem:s9], [sflag:$0x4] =	stream.indirect.gather [hbm4b:s3+s11], $0x20, s11, s11, $0xb8;
	[tilespmem:$0x19C80] =	vst v63  }
0x1f6: {  	_ =	swait.ge [sflag:s14], $0xC800  }
0x1f7: {  	[sflag:s14] =	ssyncset.done $0x0  }
0x1f8: {  	s0 =	rddreg [dreg:$0x9];
	[sflag:s14] =	ssyncadd.s32 $0xFFFF3800  }
0x1f9: {  	[tilespmem:s2], [sflag:$0x1] =	stream.linear.gather [hbm4b:s0+s2], $0x640, $0x38;
	[tilespmem:$0x19C80] =	vst v63  }
0x1fa: {  	s1 =	rddreg [dreg:$0xa]  }
0x1fb: {  	[hbm4b:s1+s2] =	stream.linear.scatter [tilespmem:s7], [sflag:$0x5], $0xC800, $0x38;
	[tilespmem:$0x19C80] =	vst v63  }
0x1fc: {  	_ =	swait.ge [sflag:s20], $0x640  }
0x1fd: {  	[sflag:s20] =	ssyncset.done $0x0  }
0x1fe: {  	[sflag:s20] =	ssyncadd.s32 $0xFFFFF9C0  }
0x1ff: {  	_ =	swait.ge [sflag:s8], $0xC800  }
0x200: {  	[sflag:s8] =	ssyncset.done $0x0  }
0x201: {  	[sflag:s8] =	ssyncadd.s32 $0xFFFF3800  }
0x202: {  	[tilespmem:s7], [sflag:$0x3] =	stream.indirect.gather [hbm4b:s3+s11], $0x20, s2, s11, $0xb8;
	[tilespmem:$0x19C80] =	vst v63  }
0x203: {  	_ =	swait.ge [sflag:s13], $0xC800  }
0x204: {  	[sflag:s13] =	ssyncset.done $0x0  }
0x205: {  	s0 =	rddreg [dreg:$0xb];
	[sflag:s13] =	ssyncadd.s32 $0xFFFF3800  }
0x206: {  	[tilespmem:s11], [sflag:$0x2] =	stream.linear.gather [hbm4b:s0+s2], $0x640, $0x38;
	[tilespmem:$0x19C80] =	vst v63  }
0x207: {  	s1 =	rddreg [dreg:$0xc]  }
0x208: {  	[hbm4b:s1+s2] =	stream.linear.scatter [tilespmem:s9], [sflag:$0x6], $0xC800, $0x38;
	[tilespmem:$0x19C80] =	vst v63  }
0x209: {  	_ =	swait.ge [sflag:s17], $0x640  }
0x20a: {  	[sflag:s17] =	ssyncset.done $0x0  }
0x20b: {  	[sflag:s17] =	ssyncadd.s32 $0xFFFFF9C0  }
0x20c: {  	_ =	swait.ge [sflag:s31], $0xC800  }
0x20d: {  	[sflag:s31] =	ssyncset.done $0x0  }
0x20e: {  	[sflag:s31] =	ssyncadd.s32 $0xFFFF3800  }
0x20f: {  	[tilespmem:s9], [sflag:$0x4] =	stream.indirect.gather [hbm4b:s3+s11], $0x20, s11, s11, $0xb8;
	[tilespmem:$0x19C80] =	vst v63  }
0x210: {  	_ =	swait.ge [sflag:s14], $0xC800  }
0x211: {  	[sflag:s14] =	ssyncset.done $0x0  }
0x212: {  	s0 =	rddreg [dreg:$0xd];
	[sflag:s14] =	ssyncadd.s32 $0xFFFF3800  }
0x213: {  	[tilespmem:s2], [sflag:$0x1] =	stream.linear.gather [hbm4b:s0+s2], $0x640, $0x38;
	[tilespmem:$0x19C80] =	vst v63  }
0x214: {  	s1 =	rddreg [dreg:$0xe]  }
0x215: {  	[hbm4b:s1+s2] =	stream.linear.scatter [tilespmem:s7], [sflag:$0x5], $0xC800, $0x38;
	[tilespmem:$0x19C80] =	vst v63  }
0x216: {  	_ =	swait.ge [sflag:s20], $0x640  }
0x217: {  	[sflag:s20] =	ssyncset.done $0x0  }
0x218: {  	[sflag:s20] =	ssyncadd.s32 $0xFFFFF9C0  }
0x219: {  	_ =	swait.ge [sflag:s8], $0xC800  }
0x21a: {  	[sflag:s8] =	ssyncset.done $0x0  }
0x21b: {  	[sflag:s8] =	ssyncadd.s32 $0xFFFF3800  }
0x21c: {  	[tilespmem:s7], [sflag:$0x3] =	stream.indirect.gather [hbm4b:s3+s11], $0x20, s2, s11, $0xb8;
	[tilespmem:$0x19C80] =	vst v63  }
0x21d: {  	_ =	swait.ge [sflag:s13], $0xC800  }
0x21e: {  	[sflag:s13] =	ssyncset.done $0x0  }
0x21f: {  	s0 =	rddreg [dreg:$0xf];
	[sflag:s13] =	ssyncadd.s32 $0xFFFF3800  }
0x220: {  	[tilespmem:s11], [sflag:$0x2] =	stream.linear.gather [hbm4b:s0+s2], $0x640, $0x38;
	[tilespmem:$0x19C80] =	vst v63  }
0x221: {  	s1 =	rddreg [dreg:$0x10]  }
0x222: {  	[hbm4b:s1+s2] =	stream.linear.scatter [tilespmem:s9], [sflag:$0x6], $0xC800, $0x38;
	[tilespmem:$0x19C80] =	vst v63  }
0x223: {  	_ =	swait.ge [sflag:s17], $0x640  }
0x224: {  	[sflag:s17] =	ssyncset.done $0x0  }
0x225: {  	[sflag:s17] =	ssyncadd.s32 $0xFFFFF9C0  }
0x226: {  	_ =	swait.ge [sflag:s31], $0xC800  }
0x227: {  	[sflag:s31] =	ssyncset.done $0x0  }
0x228: {  	[sflag:s31] =	ssyncadd.s32 $0xFFFF3800  }
0x229: {  	[tilespmem:s9], [sflag:$0x4] =	stream.indirect.gather [hbm4b:s3+s11], $0x20, s11, s11, $0xb8;
	[tilespmem:$0x19C80] =	vst v63  }
0x22a: {  	_ =	swait.ge [sflag:s14], $0xC800  }
0x22b: {  	[sflag:s14] =	ssyncset.done $0x0  }
0x22c: {  	[sflag:s14] =	ssyncadd.s32 $0xFFFF3800  }
0x22d: {  	[tilespmem:s2], [sflag:$0x1] =	stream.linear.gather [hbm4b:s30+s2], $0x640, $0x38;
	[tilespmem:$0x19C80] =	vst v63  }
0x22e: {  	_ = 	snop  }
0x22f: {  	[hbm4b:s6+s2] =	stream.linear.scatter [tilespmem:s7], [sflag:$0x5], $0xC800, $0x38;
	[tilespmem:$0x19C80] =	vst v63  }
0x230: {  	_ =	swait.ge [sflag:s20], $0x640  }
0x231: {  	[sflag:s20] =	ssyncset.done $0x0  }
0x232: {  	[sflag:s20] =	ssyncadd.s32 $0xFFFFF9C0  }
0x233: {  	_ =	swait.ge [sflag:s8], $0xC800  }
0x234: {  	[sflag:s8] =	ssyncset.done $0x0  }
0x235: {  	[sflag:s8] =	ssyncadd.s32 $0xFFFF3800  }
0x236: {  	[tilespmem:s7], [sflag:$0x3] =	stream.indirect.gather [hbm4b:s3+s11], $0x20, s2, s11, $0xb8;
	[tilespmem:$0x19C80] =	vst v63  }
0x237: {  	_ =	swait.ge [sflag:s13], $0xC800  }
0x238: {  	[sflag:s13] =	ssyncset.done $0x0  }
0x239: {  	[sflag:s13] =	ssyncadd.s32 $0xFFFF3800  }
0x23a: {  	[tilespmem:s11], [sflag:$0x2] =	stream.linear.gather [hbm4b:s28+s2], $0x640, $0x38;
	[tilespmem:$0x19C80] =	vst v63  }
0x23b: {  	_ = 	snop  }
0x23c: {  	[hbm4b:s29+s2] =	stream.linear.scatter [tilespmem:s9], [sflag:$0x6], $0xC800, $0x38;
	[tilespmem:$0x19C80] =	vst v63  }
0x23d: {  	_ =	swait.ge [sflag:s17], $0x640  }
0x23e: {  	[sflag:s17] =	ssyncset.done $0x0  }
0x23f: {  	[sflag:s17] =	ssyncadd.s32 $0xFFFFF9C0  }
0x240: {  	_ =	swait.ge [sflag:s31], $0xC800  }
0x241: {  	[sflag:s31] =	ssyncset.done $0x0  }
0x242: {  	[sflag:s31] =	ssyncadd.s32 $0xFFFF3800  }
0x243: {  	[tilespmem:s9], [sflag:$0x4] =	stream.indirect.gather [hbm4b:s3+s11], $0x20, s11, s11, $0xb8;
	[tilespmem:$0x19C80] =	vst v63  }
0x244: {  	_ =	swait.ge [sflag:s14], $0xC800  }
0x245: {  	[sflag:s14] =	ssyncset.done $0x0  }
0x246: {  	[sflag:s14] =	ssyncadd.s32 $0xFFFF3800  }
0x247: {  	[tilespmem:s2], [sflag:$0x1] =	stream.linear.gather [hbm4b:s25+s2], $0x640, $0x38;
	[tilespmem:$0x19C80] =	vst v63  }
0x248: {  	_ = 	snop  }
0x249: {  	[hbm4b:s26+s2] =	stream.linear.scatter [tilespmem:s7], [sflag:$0x5], $0xC800, $0x38;
	[tilespmem:$0x19C80] =	vst v63  }
0x24a: {  	_ =	swait.ge [sflag:s20], $0x640  }
0x24b: {  	[sflag:s20] =	ssyncset.done $0x0  }
0x24c: {  	[sflag:s20] =	ssyncadd.s32 $0xFFFFF9C0  }
0x24d: {  	_ =	swait.ge [sflag:s8], $0xC800  }
0x24e: {  	[sflag:s8] =	ssyncset.done $0x0  }
0x24f: {  	[sflag:s8] =	ssyncadd.s32 $0xFFFF3800  }
0x250: {  	[tilespmem:s7], [sflag:$0x3] =	stream.indirect.gather [hbm4b:s3+s11], $0x20, s2, s11, $0xb8;
	[tilespmem:$0x19C80] =	vst v63  }
0x251: {  	_ =	swait.ge [sflag:s13], $0xC800  }
0x252: {  	[sflag:s13] =	ssyncset.done $0x0  }
0x253: {  	[sflag:s13] =	ssyncadd.s32 $0xFFFF3800  }
0x254: {  	[tilespmem:s11], [sflag:$0x2] =	stream.linear.gather [hbm4b:s23+s2], $0x640, $0x38;
	[tilespmem:$0x19C80] =	vst v63  }
0x255: {  	_ = 	snop  }
0x256: {  	[hbm4b:s24+s2] =	stream.linear.scatter [tilespmem:s9], [sflag:$0x6], $0xC800, $0x38;
	[tilespmem:$0x19C80] =	vst v63  }
0x257: {  	_ =	swait.ge [sflag:s17], $0x640  }
0x258: {  	[sflag:s17] =	ssyncset.done $0x0  }
0x259: {  	[sflag:s17] =	ssyncadd.s32 $0xFFFFF9C0  }
0x25a: {  	_ =	swait.ge [sflag:s31], $0xC800  }
0x25b: {  	[sflag:s31] =	ssyncset.done $0x0  }
0x25c: {  	[sflag:s31] =	ssyncadd.s32 $0xFFFF3800  }
0x25d: {  	[tilespmem:s9], [sflag:$0x4] =	stream.indirect.gather [hbm4b:s3+s11], $0x20, s11, s11, $0xb8;
	[tilespmem:$0x19C80] =	vst v63  }
0x25e: {  	_ =	swait.ge [sflag:s14], $0xC800  }
0x25f: {  	[sflag:s14] =	ssyncset.done $0x0  }
0x260: {  	[sflag:s14] =	ssyncadd.s32 $0xFFFF3800  }
0x261: {  	[tilespmem:s2], [sflag:$0x1] =	stream.linear.gather [hbm4b:s21+s2], $0x640, $0x38;
	[tilespmem:$0x19C80] =	vst v63  }
0x262: {  	_ = 	snop  }
0x263: {  	[hbm4b:s22+s2] =	stream.linear.scatter [tilespmem:s7], [sflag:$0x5], $0xC800, $0x38;
	[tilespmem:$0x19C80] =	vst v63  }
0x264: {  	_ =	swait.ge [sflag:s20], $0x640  }
0x265: {  	[sflag:s20] =	ssyncset.done $0x0  }
0x266: {  	[sflag:s20] =	ssyncadd.s32 $0xFFFFF9C0  }
0x267: {  	_ =	swait.ge [sflag:s8], $0xC800  }
0x268: {  	[sflag:s8] =	ssyncset.done $0x0  }
0x269: {  	[sflag:s8] =	ssyncadd.s32 $0xFFFF3800  }
0x26a: {  	[tilespmem:s7], [sflag:$0x3] =	stream.indirect.gather [hbm4b:s3+s11], $0x20, s2, s11, $0xb8;
	[tilespmem:$0x19C80] =	vst v63  }
0x26b: {  	_ =	swait.ge [sflag:s13], $0xC800  }
0x26c: {  	[sflag:s13] =	ssyncset.done $0x0  }
0x26d: {  	[sflag:s13] =	ssyncadd.s32 $0xFFFF3800  }
0x26e: {  	[tilespmem:s11], [sflag:$0x2] =	stream.linear.gather [hbm4b:s18+s2], $0x640, $0x38;
	[tilespmem:$0x19C80] =	vst v63  }
0x26f: {  	_ = 	snop  }
0x270: {  	[hbm4b:s19+s2] =	stream.linear.scatter [tilespmem:s9], [sflag:$0x6], $0xC800, $0x38;
	[tilespmem:$0x19C80] =	vst v63  }
0x271: {  	_ =	swait.ge [sflag:s17], $0x640  }
0x272: {  	[sflag:s17] =	ssyncset.done $0x0  }
0x273: {  	[sflag:s17] =	ssyncadd.s32 $0xFFFFF9C0  }
0x274: {  	_ =	swait.ge [sflag:s31], $0xC800  }
0x275: {  	[sflag:s31] =	ssyncset.done $0x0  }
0x276: {  	[sflag:s31] =	ssyncadd.s32 $0xFFFF3800  }
0x277: {  	[tilespmem:s9], [sflag:$0x4] =	stream.indirect.gather [hbm4b:s3+s11], $0x20, s11, s11, $0xb8;
	[tilespmem:$0x19C80] =	vst v63  }
0x278: {  	_ =	swait.ge [sflag:s14], $0xC800  }
0x279: {  	[sflag:s14] =	ssyncset.done $0x0  }
0x27a: {  	[sflag:s14] =	ssyncadd.s32 $0xFFFF3800  }
0x27b: {  	[tilespmem:s2], [sflag:$0x1] =	stream.linear.gather [hbm4b:s15+s2], $0x640, $0x38;
	[tilespmem:$0x19C80] =	vst v63  }
0x27c: {  	_ = 	snop  }
0x27d: {  	[hbm4b:s16+s2] =	stream.linear.scatter [tilespmem:s7], [sflag:$0x5], $0xC800, $0x38;
	[tilespmem:$0x19C80] =	vst v63  }
0x27e: {  	_ =	swait.ge [sflag:s20], $0x640  }
0x27f: {  	[sflag:s20] =	ssyncset.done $0x0  }
0x280: {  	[sflag:s20] =	ssyncadd.s32 $0xFFFFF9C0  }
0x281: {  	_ =	swait.ge [sflag:s8], $0xC800  }
0x282: {  	[sflag:s8] =	ssyncset.done $0x0  }
0x283: {  	[sflag:s8] =	ssyncadd.s32 $0xFFFF3800  }
0x284: {  	[tilespmem:s7], [sflag:$0x3] =	stream.indirect.gather [hbm4b:s3+s11], $0x20, s2, s11, $0xb8;
	[tilespmem:$0x19C80] =	vst v63  }
0x285: {  	_ =	swait.ge [sflag:s13], $0xC800  }
0x286: {  	[sflag:s13] =	ssyncset.done $0x0  }
0x287: {  	[sflag:s13] =	ssyncadd.s32 $0xFFFF3800  }
0x288: {  	[tilespmem:s11], [sflag:$0x2] =	stream.linear.gather [hbm4b:s5+s2], $0x640, $0x38;
	[tilespmem:$0x19C80] =	vst v63  }
0x289: {  	_ = 	snop  }
0x28a: {  	[hbm4b:s12+s2] =	stream.linear.scatter [tilespmem:s9], [sflag:$0x6], $0xC800, $0x38;
	[tilespmem:$0x19C80] =	vst v63  }
0x28b: {  	_ =	swait.ge [sflag:s17], $0x640  }
0x28c: {  	[sflag:s17] =	ssyncset.done $0x0  }
0x28d: {  	[sflag:s17] =	ssyncadd.s32 $0xFFFFF9C0  }
0x28e: {  	_ =	swait.ge [sflag:s31], $0xC800  }
0x28f: {  	[sflag:s31] =	ssyncset.done $0x0  }
0x290: {  	[sflag:s31] =	ssyncadd.s32 $0xFFFF3800  }
0x291: {  	[tilespmem:s9], [sflag:$0x4] =	stream.indirect.gather [hbm4b:s3+s11], $0x20, s11, s11, $0xb8;
	[tilespmem:$0x19C80] =	vst v63  }
0x292: {  	_ =	swait.ge [sflag:s14], $0xC800  }
0x293: {  	[sflag:s14] =	ssyncset.done $0x0  }
0x294: {  	[sflag:s14] =	ssyncadd.s32 $0xFFFF3800  }
0x295: {  	[hbm4b:s10+s2] =	stream.linear.scatter [tilespmem:s7], [sflag:$0x5], $0xC800, $0x38;
	[tilespmem:$0x19C80] =	vst v63  }
0x296: {  	_ =	swait.ge [sflag:s13], $0xC800  }
0x297: {  	[sflag:s13] =	ssyncset.done $0x0  }
0x298: {  	[sflag:s13] =	ssyncadd.s32 $0xFFFF3800  }
0x299: {  	[hbm4b:s4+s2] =	stream.linear.scatter [tilespmem:s9], [sflag:$0x6], $0xC800, $0x38;
	[tilespmem:$0x19C80] =	vst v63  }
0x29a: {  	_ =	swait.ge [sflag:s8], $0xC800  }
0x29b: {  	[sflag:s8] =	ssyncset.done $0x0  }
0x29c: {  	[sflag:s8] =	ssyncadd.s32 $0xFFFF3800  }
0x29d: {  	_ =	swait.ge [sflag:s31], $0xC800  }
0x29e: {  	[sflag:s31] =	ssyncset.done $0x0  }
0x29f: {  	[sflag:s31] =	ssyncadd.s32 $0xFFFF3800  }
0x2a0: {  	_ =	sfence.sel $0x180000  }
0x2a1: {  	[bflag:$0x0] =	sbarrier.arrive $0xFFFF  }
0x2a2: {  	_ =	strace $0x90000047  }
0x2a3: {  	s31 =	stileid.u32;
	[bflag:$0x2] =	sbarrier.arrive $0xFFFF  }
0x2a4: {  	p0 =	sne.s32 s31, $0x0;
	s0 =	rddreg [dreg:$0x2]  }
0x2a5: {  	s0 =	sadd.s32 @!p0 $0x100000, s0  }
0x2a6: {  	[sflag:s0] =	ssyncadd.tile.s32 @!p0 $0x1;
	_ =	shalt  }
.Lfunc_end2:
_tile_overlayer_lowered:
.L_overlay_start_2:
0x2a7: {  	(tag) =	ssettag $0x2  }
0x2a8: {  	s0 =	rddreg [dreg:$0x0];
	s2 =	stileid.u32  }
0x2a9: {  	s1 =	rddreg [dreg:$0x1];
	p0 =	sne.s32 s2, $0x0  }
0x2aa: {  	s3 =	rddreg [dreg:$0x2];
	[bflag:$0x3] =	sbarrier.arrive $0xFFFF;
	s2 =	simm.s32 @!p0 $0x1C07  }
0x2ab: {  	[timem:s3], [sflag:s2] =	dma.local @!p0 [hbm:s0], s1  }
0x2ac: {  	s0 =	simm.s32 @!p0 $0x7  }
0x2ad: {  	_ =	swait.ge @!p0 [sflag:s0], s1  }
0x2ae: {  	s1 =	ssub.s32 @!p0 $0x0, s1;
	[sflag:s0] =	ssyncset.done @!p0 $0x0  }
0x2af: {  	[sflag:s0] =	ssyncadd.s32 @!p0 s1  }
0x2b0: {  	[bflag:$0x3] =	sbarrier.arrive $0xFFFF  }
0x2b1: {  	_ =	shalt  }

// kernel: sparse-core-data-format-call.cloned.1.call-start
scs
called_computation_lowered:
.L_overlay_start_0:
0x0: {  	s2 =	sld [smem:$0x3FD9]  }
0x1: {  	s3 =	sld [smem:$0x3FFE];
	_ =	sdelay $0x1  }
0x2: {  	s1 =	srdreg.scid  }
0x3: {  	s0 =	sand.u32 $0x1, s1  }
0x4: {  	s18 =	sshll.u32 s0, $0xA;
	s2 =	sadd.s32 s3, s2  }
0x5: {  	s2 =	sadd.s32 s2, s18  }
0x6: {  	[smem:$0x3FC6] =	sst s2  }
0x7: {  	_ = 	snop  }
0x8: {  	s2 =	sld [smem:$0x3FD0];
	(tm) =	ssettm $0x1  }
0x9: {  	s19 =	sld [smem:$0x3FFB];
	_ =	sdelay $0x3  }
0xa: {  	_ =	strace s19  }
0xb: {  	s3 =	sld [smem:$0x3FFC];
	_ =	sdelay $0x3  }
0xc: {  	_ =	strace s3  }
0xd: {  	s3 =	sld [smem:$0x3FFD];
	_ =	sdelay $0x3  }
0xe: {  	_ =	strace s3  }
0xf: {  	_ =	strace $0x8FFFFFFF  }
0x10: {  	s20 =	sld [smem:$0x3FDB];
	_ =	sdelay $0x1  }
0x11: {  	s4 =	simm.s32 $_scs_section_size  }
0x12: {  	s5 =	simm.s32 $_size__tile_overlayer_lowered;
	s6 =	simm.s32 $_tile_overlayer_lowered  }
0x13: {  	s23 =	simm.s32 $0x1BFF;
	s22 =	sshll.u32 s6, $0x1;
	s3 =	sadd.s32 s4, s20  }
0x14: {  	s7 =	simm.s32 $0x0;
	s21 =	sshll.u32 s5, $0x1;
	s5 =	sadd.s32 s22, s3  }
0x15: {  	[timem:s7], [sflag:s23] =	dma.local [hbm:s5], s21  }
0x16: {  	_ =	swait.ge [sflag:s23], s21  }
0x17: {  	s4 =	ssub.s32 $0x0, s21;
	[sflag:s23] =	ssyncset.done $0x0  }
0x18: {  	[sflag:s23] =	ssyncadd.s32 s4;
	_ =	sdelay $0x1  }
0x19: {  	s24 =	simm.s32 $0x1B8B  }
0x1a: {  	_ =	swait.ge [sflag:s24], $0x1  }
0x1b: {  	[sflag:s24] =	ssyncset.done $0x0  }
0x1c: {  	s26 =	simm.s32 $0x1B8E;
	s25 =	sld [smem:$0x3FFE];
	[sflag:s24] =	ssyncadd.s32 $0xFFFFFFFF  }
0x1d: {  	s27 =	simm.s32 $execute0_lowered;
	[smem:$0x3FD2] =	sst s26  }
0x1e: {  	s5 =	sshll.u32 s27, $0x1;
	_ =	strace $0x80000049;
	[dreg:$0x1] =	wrdreg $0xFFFFFFFF  }
0x1f: {  	s28 =	simm.s32 $_size_execute0_lowered;
	s3 =	sadd.s32 s3, s5;
	[dreg:$0x0] =	wrdreg $0x0  }
0x20: {  	s5 =	sshll.u32 s28, $0x1;
	[dreg:$0x2] =	wrdreg s3  }
0x21: {  	[dreg:$0x3] =	wrdreg s5  }
0x22: {  	[dreg:$0x4] =	wrdreg $0xC0  }
0x23: {  	_ =	task [dreg:s7], $0x5FFFF  }
0x24: {  	[dreg:$0x1] =	wrdreg $0xFFFFFFFF  }
0x25: {  	[dreg:$0x0] =	wrdreg $0x60  }
0x26: {  	[dreg:$0x2] =	wrdreg s25  }
0x27: {  	[dreg:$0x3] =	wrdreg s2  }
0x28: {  	[dreg:$0x4] =	wrdreg $0x9  }
0x29: {  	_ =	task.clear_ibuf [dreg:s7], $0x5FFFF;
	_ =	strace $0x90000049  }
0x2a: {  	s29 =	simm.s32 $0x9;
	_ =	strace $0x8000004B  }
0x2b: {  	_ =	swait.ge [sflag:s29], $0x1  }
0x2c: {  	[sflag:s29] =	ssyncadd.s32 $0xFFFFFFFF  }
0x2d: {  	_ =	strace $0x9000004B  }
0x2e: {  	_ =	sfence  }
0x2f: {  	s30 =	sld [smem:$0x0];
	_ =	sdelay $0x2  }
0x30: {  	s31 =	sshll.u32 s1, $0xD;
	s1 =	sshrl.u32 s1, $0x2  }
0x31: {  	s3 =	sand.u32 $0x4000, s31;
	s1 =	sadd.s32 s1, s30  }
0x32: {  	s0 =	sor.u32 s3, s0;
	s1 =	sshll.u32 s1, $0x11  }
0x33: {  	s0 =	sor.u32 s1, s0  }
0x34: {  	s0 =	sadd.s32 $0x8F2B, s0  }
0x35: {  	[sflag:s0] =	ssyncadd.remote.s32 $0x1  }
0x36: {  	_ =	sfence.sel $0xFFFF  }
0x37: {  	[dreg:$0x0] =	wrdreg $0xFFFFFFFF;
	(pc) =	sbr.abs _section_cstart, $3  }
0x38: {  	[dreg:$0x1] =	wrdreg $0xFFFFFFFF  }
0x39: {  	_ =	task.clear_ibuf [dreg:s7], $0x2FFFF;
	_ =	strace $0x9FFFFFFF  }
0x3a: {  	(tm) =	ssettm $0x7FFFFFFF  }
0x3b: {  	_ =	shalt  }
tec
execute0_lowered:
.L_overlay_start_1:
0x0: {  	(tag) =	ssettag $0x1  }
0x1: {  	s0 =	srdreg.scid  }
0x2: {  	s1 =	sshll.u32 s0, $0x4  }
0x3: {  	s0 =	stileid.u32;
	s1 =	sand.u32 $0x10, s1  }
0x4: {  	s1 =	sor.u32 s0, s1  }
0x5: {  	s6 =	rddreg [dreg:$0x0];
	s4 =	simm.s32 $0x1;
	s2 =	sshll.u32 s1, $0x7  }
0x6: {  	s7 =	simm.s32 $0x2;
	s12 =	simm.s32 $0x0;
	s1 =	ssub.s32 $0x1000, s2  }
0x7: {  	s8 =	simm.s32 $0x8000;
	s13 =	simm.s32 $0x0;
	s3 =	sand.u32 $0xF80, s1  }
0x8: {  	s9 =	simm.s32 $0x0;
	s5 =	sshrl.u32 s1, $0xC;
	p0 =	sne.s32 s3, $0x0  }
.Ltmp0:
0x9: {  	s1 =	rddreg [dreg:$0x2];
	s4 =	simm.s32 @!p0 $0x0;
	(pc) =	sbr.rel .LBB1_1-.Ltmp0, $4  }
0xa: {  	s11 =	simm.s32 $0x0;
	s3 =	rddreg [dreg:$0x1];
	s5 =	sadd.s32 s4, s5  }
0xb: {  	_ =	strace $0x8000004A;
	s4 =	simm.s32 $0x1;
	s5 =	smul.u32 $0xC8, s5  }
0xc: {  	s6 =	sadd.s32 $0xA00, s6;
	s10 =	smov.u32 s2;
	[sflag:s4] =	ssyncpa.u1 $0x0  }
0xd: {  	p0 =	por $0x0, $0x0;
	[sflag:s7] =	ssyncpa.u1 $0x0;
	s7 =	sor.u32 $0x1, s5  }
.LBB1_4:
0xe: {  	s16 =	sshll.u32 s13, $0x3;
	s17 =	sand.u32 $0x78, s13  }
0xf: {  	s30 =	sand.u32 $0x3E00, s13;
	s12 =	sshll.u32 s12, $0xE;
	s16 =	sand.u32 $0xC00, s16  }
0x10: {  	s31 =	sand.u32 $0x7, s13;
	s16 =	sor.u32 s17, s16;
	s17 =	sadd.s32 s3, s30  }
0x11: {  	s13 =	sshll.u32 s31, $0x12;
	s16 =	sshrl.u32 s16, $0x3;
	s12 =	sadd.s32 s12, s17  }
0x12: {  	[tilespmem:s15+$0x0 ss:$0x81] =	vst.msk $0xffff, v0;
	s13 =	sor.u32 $0x400, s13;
	s12 =	sadd.s32 s16, s12  }
0x13: {  	[hbm4b:s12+s13] =	stream.strided.scatter [tilespmem:s14], [sflag:$0x2], $0x1000, s8, s13, $0x20;
	[tilespmem:$0x4040] =	vst v63  }
.LBB1_5:
0x14: {  	s14 =	sadd.s32 $0x1, s9  }
0x15: {  	s12 =	sadd.s32 $0x1000, s10;
	s16 =	smov.u32 s10;
	p2 =	sgt.s32 s14, $0xC7  }
0x16: {  	s16 =	smov.u32 @p2 s12  }
0x17: {  	s14 =	simm.s32 @p2 $0x0;
	p2 =	sgt.s32 s16, $0xFFF  }
0x18: {  	s16 =	smov.u32 @p2 s2;
	p2 =	sne.s32 s11, s7  }
.Ltmp1:
0x19: {  	p1 =	slt.u32 s11, $0x2;
	(pc) =	sbr.rel @!p2 .LBB1_6-.Ltmp1, $4  }
0x1a: {  	s15 =	simm.s32 @!p1 $0x2  }
0x1b: {  	s13 =	smov.u32 s10;
	p0 =	por !p0, !p0;
	_ =	swait.ge @!p1 [sflag:s15], $0x1000  }
0x1c: {  	s12 =	smov.u32 s9;
	[sflag:s15] =	ssyncset.done @!p1 $0x0;
	s9 =	smov.u32 s14  }
0x1d: {  	s11 =	sadd.s32 $0x1, s11;
	[sflag:s15] =	ssyncadd.s32 @!p1 $0xFFFFF000;
	s10 =	smov.u32 s16  }
.LBB1_1:
0x1e: {  	p1 =	sge.u32 s11, s5  }
0x1f: {  	s14 =	sand.u32 @!p1 $0x1FFFFFF, s9  }
0x20: {  	s15 =	smulhi.u32 @!p1 $0x147AE15, s14;
	_ =	sdelay $0x1  }
0x21: {  	s15 =	smul.u32 @!p1 $0xC8, s15  }
0x22: {  	s16 =	sxor.u32 @!p1 $0xFFFFFFFF, s11;
	s17 =	smul.u32 @!p1 $0xC80, s10  }
0x23: {  	s31 =	sadd.s32 $0xFFFFFFFF, s11;
	s16 =	sshll.u32 @!p1 s16, $0xC;
	s14 =	ssub.s32 @!p1 s14, s15  }
0x24: {  	s15 =	sand.u32 @!p1 $0x1000, s16;
	s16 =	sadd.s32 @!p1 s6, s17;
	s14 =	sshll.u32 @!p1 s14, $0x4  }
0x25: {  	s17 =	simm.s32 @!p1 $0x6400;
	s14 =	sadd.s32 @!p1 s14, s16;
	s16 =	simm.s32 @!p1 $0x20  }
0x26: {  	[tilespmem:s15], [sflag:$0x1] =	stream.strided.gather @!p1 [hbm4b:s14+s16], $0x1000, s17, s16, $0x38;
	[tilespmem:$0x4040] =	vst v63  }
0x27: {  	p1 =	sge.u32 s31, s5  }
.Ltmp2:
0x28: {  	_ = 	snop;
	(pc) =	sbr.rel @p1 .LBB1_5-.Ltmp2, $1  }
0x29: {  	_ =	sdelay $0x3  }
0x2a: {  	s14 =	simm.s32 $0x1  }
0x2b: {  	_ =	swait.ge [sflag:s4], $0x1000;
	s14 =	simm.s32 @!p0 $0x0  }
0x2c: {  	[sflag:s4] =	ssyncset.done $0x0;
	s15 =	sshll.u32 s14, $0xC  }
0x2d: {  	[sflag:s4] =	ssyncadd.s32 $0xFFFFF000;
	s18 =	sor.u32 $0x10, s15  }
0x2e: {  	s14 =	smul.u32 $0x4080, s14;
	v1 =	vld [tilespmem:s18+$0x0]  }
0x2f: {  	s30 =	sand.u32 $0x1, s11;
	v0 =	vld [tilespmem:s18+$0xFFFFFFF0]  }
0x30: {  	s15 =	smul.u32 $0x4080, s30;
	s14 =	sshrl.u32 s14, $0x2  }
0x31: {  	s16 =	sor.u32 $0x2000, s14  }
0x32: {  	s31 =	sshrl.u32 s15, $0x2;
	s15 =	sadd.s32 $0x0, s16  }
0x33: {  	s17 =	simm.s32 $0x4;
	s18 =	sadd.s32 $0x20, s18;
	s14 =	sor.u32 $0x2000, s31;
	[tilespmem:s15+$0x810 ss:$0x81] =	vst.msk $0xffff, v1  }
.LBB1_3:
0x34: {  	v1 =	vld [tilespmem:s18+$0x0];
	p1 =	sne.s32 s17, $0x1FC;
	[tilespmem:s15+$0x0 ss:$0x81] =	vst.msk $0xffff, v0;
	s15 =	smov.u32 s17;
	s17 =	sadd.s32 $0x4, s17  }
.Ltmp3:
0x35: {  	v0 =	vld [tilespmem:s18+$0xFFFFFFF0];
	(pc) =	sbr.rel @p1 .LBB1_3-.Ltmp3, $4  }
0x36: {  	_ = 	snop  }
0x37: {  	s15 =	sshra.s32 s15, $0x2  }
0x38: {  	s15 =	sadd.s32 s15, s16  }
0x39: {  	s18 =	sadd.s32 $0x20, s18;
	[tilespmem:s15+$0x810 ss:$0x81] =	vst.msk $0xffff, v1  }
.Ltmp4:
0x3a: {  	_ = 	snop;
	(pc) =	sbr.rel .LBB1_4-.Ltmp4, $1  }
0x3b: {  	_ =	sdelay $0x3  }
.LBB1_6:
0x3c: {  	_ =	sfence.sel $0x180000  }
0x3d: {  	s2 =	simm.s32 $0x1;
	[bflag:$0x0] =	sbarrier.arrive $0xFFFF  }
0x3e: {  	s31 =	simm.s32 $0x2;
	[sflag:s2] =	ssyncpa.u1 $0x1  }
0x3f: {  	[sflag:s31] =	ssyncpa.u1 $0x1  }
0x40: {  	p0 =	sne.s32 s0, $0x0;
	_ =	strace $0x9000004A  }
0x41: {  	s0 =	sadd.s32 @!p0 $0x100000, s1;
	[bflag:$0x2] =	sbarrier.arrive $0xFFFF  }
0x42: {  	[sflag:s0] =	ssyncadd.tile.s32 @!p0 $0x1;
	_ =	shalt  }
.Lfunc_end1:
_tile_overlayer_lowered:
.L_overlay_start_2:
0x43: {  	(tag) =	ssettag $0x2  }
0x44: {  	s0 =	rddreg [dreg:$0x0];
	s2 =	stileid.u32  }
0x45: {  	s1 =	rddreg [dreg:$0x1];
	p0 =	sne.s32 s2, $0x0  }
0x46: {  	s3 =	rddreg [dreg:$0x2];
	[bflag:$0x3] =	sbarrier.arrive $0xFFFF;
	s2 =	simm.s32 @!p0 $0x1C01  }
0x47: {  	[timem:s3], [sflag:s2] =	dma.local @!p0 [hbm:s0], s1  }
0x48: {  	s0 =	simm.s32 @!p0 $0x1  }
0x49: {  	_ =	swait.ge @!p0 [sflag:s0], s1  }
0x4a: {  	s1 =	ssub.s32 @!p0 $0x0, s1;
	[sflag:s0] =	ssyncset.done @!p0 $0x0  }
0x4b: {  	[sflag:s0] =	ssyncadd.s32 @!p0 s1  }
0x4c: {  	[bflag:$0x3] =	sbarrier.arrive $0xFFFF  }
0x4d: {  	_ =	shalt  }

</sc_bundles>
